<compile_context>
chip_gen: v7x
topology: tpu7x:2x2x1
jax: 0.10.2.dev20260603
libtpu: 0.0.44.dev20260713+nightly
codegen_flags: <defaults>
</compile_context>

<pallas_src>
import functools

import jax
import jax.numpy as jnp
from jax import lax
from jax.experimental import pallas as pl
from jax.experimental.pallas import tpu as pltpu
from jax.experimental.pallas import tpu_sc as plsc

N = 10000
E = 160000
D = 256
H = 128
NC = 2
NS = 16
NP = 10240
RPT = NP // NS

C1 = 40
NCH1 = (E // (NC * NS)) // C1
C3 = 80
NCH3 = (E // NS) // C3

_mesh = plsc.VectorSubcoreMesh(core_axis_name="c", subcore_axis_name="s")


@functools.partial(
    pl.kernel,
    out_type=jax.ShapeDtypeStruct((NC, NP, H), jnp.float32),
    mesh=_mesh,
    scratch_types=[
        pltpu.VMEM((NCH1, C1), jnp.int32),
        pltpu.VMEM((C1, H), jnp.float32),
        pltpu.VMEM_SHARED((NP, H), jnp.float32),
    ],
)
def _deg_kernel(src_hbm, ones_hbm, zrows_hbm, out_hbm, idx_v, ones_v, deg_sh):
    c = lax.axis_index("c")
    s = lax.axis_index("s")
    pltpu.sync_copy(src_hbm.at[c, s], idx_v)
    pltpu.sync_copy(ones_hbm, ones_v)
    pltpu.sync_copy(zrows_hbm, deg_sh.at[pl.ds(s * RPT, RPT)])
    plsc.subcore_barrier()

    def body(j, carry):
        pltpu.sync_copy(ones_v, deg_sh.at[idx_v.at[j]], add=True)
        return carry

    lax.fori_loop(0, NCH1, body, 0)
    plsc.subcore_barrier()
    pltpu.sync_copy(deg_sh.at[pl.ds(s * RPT, RPT)],
                    out_hbm.at[c, pl.ds(s * RPT, RPT)])


@functools.partial(
    pl.kernel,
    out_type=jax.ShapeDtypeStruct((NC, NP, H), jnp.float32),
    mesh=_mesh,
    scratch_types=[
        pltpu.VMEM((2, C3), jnp.int32),
        pltpu.VMEM((2, C3), jnp.int32),
        pltpu.VMEM((C3, H), jnp.float32),
        pltpu.VMEM((C3, H), jnp.float32),
        pltpu.SemaphoreType.DMA,
        pltpu.SemaphoreType.DMA,
        pltpu.SemaphoreType.DMA,
        pltpu.SemaphoreType.DMA,
        pltpu.VMEM_SHARED((NP, H), jnp.float32),
    ],
)
def _scatter_kernel(g2_hbm, eidx_hbm, zrows_hbm, out_hbm,
                    ib0, ib1, rows0, rows1, semi0, semi1, sem0, sem1, acc_sh):
    c = lax.axis_index("c")
    s = lax.axis_index("s")
    pltpu.sync_copy(zrows_hbm, acc_sh.at[pl.ds(s * RPT, RPT)])
    plsc.subcore_barrier()

    pltpu.async_copy(eidx_hbm.at[c, s, 0], ib0, semi0)
    pltpu.async_copy(eidx_hbm.at[c, s, 1], ib1, semi1)
    pltpu.make_async_copy(eidx_hbm.at[c, s, 0], ib0, semi0).wait()
    pltpu.async_copy(g2_hbm.at[ib0.at[0]], rows0, sem0)
    pltpu.make_async_copy(eidx_hbm.at[c, s, 1], ib1, semi1).wait()
    pltpu.async_copy(g2_hbm.at[ib1.at[0]], rows1, sem1)

    def pair(k, carry):
        j0 = 2 * k
        j1 = 2 * k + 1
        pltpu.make_async_copy(g2_hbm.at[ib0.at[0]], rows0, sem0).wait()
        pltpu.sync_copy(rows0, acc_sh.at[ib0.at[1]], add=True)
        pltpu.async_copy(eidx_hbm.at[c, s, j0 + 2], ib0, semi0)
        pltpu.make_async_copy(g2_hbm.at[ib1.at[0]], rows1, sem1).wait()
        pltpu.sync_copy(rows1, acc_sh.at[ib1.at[1]], add=True)
        pltpu.async_copy(eidx_hbm.at[c, s, j1 + 2], ib1, semi1)
        pltpu.make_async_copy(eidx_hbm.at[c, s, j0 + 2], ib0, semi0).wait()
        pltpu.async_copy(g2_hbm.at[ib0.at[0]], rows0, sem0)
        pltpu.make_async_copy(eidx_hbm.at[c, s, j1 + 2], ib1, semi1).wait()
        pltpu.async_copy(g2_hbm.at[ib1.at[0]], rows1, sem1)
        return carry

    lax.fori_loop(0, (NCH3 - 1) // 2 - 1, pair, 0)
    pltpu.make_async_copy(g2_hbm.at[ib0.at[0]], rows0, sem0).wait()
    pltpu.sync_copy(rows0, acc_sh.at[ib0.at[1]], add=True)
    pltpu.async_copy(eidx_hbm.at[c, s, NCH3 - 1], ib0, semi0)
    pltpu.make_async_copy(g2_hbm.at[ib1.at[0]], rows1, sem1).wait()
    pltpu.sync_copy(rows1, acc_sh.at[ib1.at[1]], add=True)
    pltpu.make_async_copy(eidx_hbm.at[c, s, NCH3 - 1], ib0, semi0).wait()
    pltpu.async_copy(g2_hbm.at[ib0.at[0]], rows0, sem0)
    pltpu.make_async_copy(g2_hbm.at[ib0.at[0]], rows0, sem0).wait()
    pltpu.sync_copy(rows0, acc_sh.at[ib0.at[1]], add=True)
    plsc.subcore_barrier()
    pltpu.sync_copy(acc_sh.at[pl.ds(s * RPT, RPT)],
                    out_hbm.at[c, pl.ds(s * RPT, RPT)])


_RB = 2000
_GRID = N // _RB


def _scale_body(deg_ref, feat_ref, out_ref):
    d = deg_ref[0, :, 0:1] + deg_ref[1, :, 0:1]
    r = lax.rsqrt(jnp.maximum(d, 1.0))
    g = feat_ref[...] * r
    out_ref[0] = g[:, :H]
    out_ref[1] = g[:, H:]


def _tail_body(deg_ref, feat_ref, a_ref, w1_ref, w2_ref, b_ref, out_ref):
    d = deg_ref[0, :, 0:1] + deg_ref[1, :, 0:1]
    r = lax.rsqrt(jnp.maximum(d, 1.0))
    f = feat_ref[...]
    a = jnp.concatenate([a_ref[0], a_ref[1]], axis=1)
    b1 = f + r * a
    b2 = (f * a) * r
    h = (jnp.dot(b1, w1_ref[...], preferred_element_type=jnp.float32)
         + jnp.dot(b2, w2_ref[...], preferred_element_type=jnp.float32)
         + b_ref[...])
    h = jnp.where(h >= 0.0, h, 0.01 * h)
    nrm = jnp.sqrt(jnp.sum(h * h, axis=1, keepdims=True))
    out_ref[...] = h / jnp.maximum(nrm, 1e-12)


def kernel(feat, edge_index, weight1, weight2, bias):
    src = edge_index[0]
    dst = edge_index[1]
    src1 = src.reshape(NC, NS, NCH1, C1)
    srcr = src.reshape(NS, NCH3, C3)
    dstr = dst.reshape(NS, NCH3, C3)
    eidx = jnp.stack([jnp.stack([srcr, dstr], axis=2),
                      jnp.stack([srcr + N, dstr], axis=2)])
    ones1 = jnp.ones((C1, H), jnp.float32)
    z128 = jnp.zeros((RPT, H), jnp.float32)

    deg_parts = _deg_kernel(src1, ones1, z128)

    g2 = pl.pallas_call(
        _scale_body,
        grid=(_GRID,),
        in_specs=[
            pl.BlockSpec((2, _RB, H), lambda i: (0, i, 0)),
            pl.BlockSpec((_RB, D), lambda i: (i, 0)),
        ],
        out_specs=pl.BlockSpec((2, _RB, H), lambda i: (0, i, 0)),
        out_shape=jax.ShapeDtypeStruct((2, N, H), jnp.float32),
    )(deg_parts, feat)
    g2 = g2.reshape(2 * N, H)

    a_parts = _scatter_kernel(g2, eidx, z128)

    out = pl.pallas_call(
        _tail_body,
        grid=(_GRID,),
        in_specs=[
            pl.BlockSpec((2, _RB, H), lambda i: (0, i, 0)),
            pl.BlockSpec((_RB, D), lambda i: (i, 0)),
            pl.BlockSpec((2, _RB, H), lambda i: (0, i, 0)),
            pl.BlockSpec((D, D), lambda i: (0, 0)),
            pl.BlockSpec((D, D), lambda i: (0, 0)),
            pl.BlockSpec((1, D), lambda i: (0, 0)),
        ],
        out_specs=pl.BlockSpec((_RB, D), lambda i: (i, 0)),
        out_shape=jax.ShapeDtypeStruct((N, D), jnp.float32),
    )(deg_parts, feat, a_parts, weight1, weight2, bias.reshape(1, D))
    return out

# --- scband reference (transcript-rebuilt; emitter-appended) ---
"""Pipeline reference for scband-ngcfconv-26938034880860 (READ-ONLY COPY).

The authoritative reference and input builder live on the scoring server;
editing this copy changes nothing except your own understanding.
"""

import jax, jax.numpy as jnp
import numpy as np

N_NODES = 10000
N_EDGES = 160000
D_IN = 256
D_OUT = 256


def setup_inputs(seed: int = 0) -> dict:
    key = jax.random.key(seed)
    k1, k2, k3, k4 = jax.random.split(key, 4)
    feat = jax.random.normal(k1, (N_NODES, D_IN), dtype=jnp.float32)
    edge_index = jax.random.randint(k2, (2, N_EDGES), 0, N_NODES).astype(jnp.int32)
    # Xavier-uniform init for weight1 / weight2, zeros for bias (matches reset_parameters)
    limit = float(np.sqrt(6.0 / (D_IN + D_OUT)))
    weight1 = jax.random.uniform(k3, (D_IN, D_OUT), dtype=jnp.float32, minval=-limit, maxval=limit)
    weight2 = jax.random.uniform(k4, (D_IN, D_OUT), dtype=jnp.float32, minval=-limit, maxval=limit)
    bias = jnp.zeros((D_OUT,), dtype=jnp.float32)
    return {"feat": feat, "edge_index": edge_index, "weight1": weight1, "weight2": weight2, "bias": bias}


def reference(feat, edge_index, weight1, weight2, bias):
    n = feat.shape[0]
    src = edge_index[0]
    dst = edge_index[1]
    # graph.out_degrees().float().clamp(min=1)
    deg = jnp.zeros((n,), dtype=jnp.float32).at[src].add(1.0)
    deg = jnp.clip(deg, 1.0)
    # message: per-edge interactions
    h_src = jnp.take(feat, src, axis=0)
    h_dst = jnp.take(feat, dst, axis=0)
    interaction1 = h_src @ weight1
    interaction2 = (h_src * h_dst) @ weight2
    interaction = interaction1 + interaction2
    weight_decay = jnp.sqrt(jnp.take(deg, src) * jnp.take(deg, dst))[:, None]
    msg = interaction / weight_decay
    # aggregation: embed = h @ W1 + sum of incoming messages (scatter-add by dst)
    agg = jax.ops.segment_sum(msg, dst, num_segments=n)
    embed = feat @ weight1 + agg
    # bias + LeakyReLU activation (default negative_slope=0.01)
    embed = embed + bias
    embed = jax.nn.leaky_relu(embed, negative_slope=0.01)
    # dropout(p=0.0) is identity in eval / p=0
    # normalized=True -> F.normalize(embed, p=2, dim=1)
    norm = jnp.linalg.norm(embed, ord=2, axis=1, keepdims=True)
    embed = embed / jnp.clip(norm, 1e-12)
    return embed

if __name__ == "__main__":
    import jax
    _d = setup_inputs()
    print(jax.jit(kernel)(*tuple(_d.values())))

</pallas_src>

<mosaic_0001>
#map = affine_map<(d0, d1) -> (0, 0, 0, 0)>
#map1 = affine_map<(d0, d1) -> (0, 0)>
#map2 = affine_map<(d0, d1) -> (0, 0, 0)>
module attributes {stable_mosaic.version = 14 : i64} {
  func.func @_deg_kernel(%arg0: i32, %arg1: i32, %arg2: memref<2x16x125x40xi32, #tpu.memory_space<hbm>>, %arg3: memref<40x128xf32, #tpu.memory_space<hbm>>, %arg4: memref<640x128xf32, #tpu.memory_space<hbm>>, %arg5: memref<2x10240x128xf32, #tpu.memory_space<hbm>>, %arg6: memref<125x40xi32, #tpu.memory_space<vmem>>, %arg7: memref<40x128xf32, #tpu.memory_space<vmem>>, %arg8: memref<10240x128xf32, #tpu.memory_space<vmem_shared>>) attributes {dimension_semantics = [#tpu.dimension_semantics<core_parallel>, #tpu.dimension_semantics<subcore_parallel>], iteration_bounds = array<i64: 2, 16>, scalar_prefetch = 0 : i64, scratch_operands = 3 : i64, tpu.core_type = #tpu.core_type<sc_vector_subcore>, window_params = [{transform_indices = #map}, {transform_indices = #map1}, {transform_indices = #map1}, {transform_indices = #map2}]} {
    "tpu.region"() ({
      %run_scoped3A = tpu.sem_alloc : memref<!tpu.dma_semaphore, #tpu.memory_space<semaphore_mem>>
      %dma_start3A = arith.constant 0 : i32
      %dma_start3A_11 = arith.constant 0 : i32
      %dma_start3A_12 = tpu.memref_slice %arg2[%arg0, %arg1, %dma_start3A, %dma_start3A_11] : memref<2x16x125x40xi32, #tpu.memory_space<hbm>> -> memref<1x1x125x40xi32, #tpu.memory_space<hbm>>
      %dma_start3A_13 = tpu.memref_squeeze %dma_start3A_12 : memref<1x1x125x40xi32, #tpu.memory_space<hbm>> -> memref<125x40xi32, #tpu.memory_space<hbm>>
      %dma_start3A_14 = arith.constant 0 : i32
      %dma_start3A_15 = arith.constant 0 : i32
      %dma_start3A_16 = tpu.memref_slice %arg2[%arg0, %arg1, %dma_start3A_14, %dma_start3A_15] : memref<2x16x125x40xi32, #tpu.memory_space<hbm>> -> memref<1x1x125x40xi32, #tpu.memory_space<hbm>>
      %dma_start3A_17 = tpu.memref_squeeze %dma_start3A_16 : memref<1x1x125x40xi32, #tpu.memory_space<hbm>> -> memref<125x40xi32, #tpu.memory_space<hbm>>
      tpu.enqueue_dma source(%dma_start3A_17 : memref<125x40xi32, #tpu.memory_space<hbm>>) target(%arg6 : memref<125x40xi32, #tpu.memory_space<vmem>>) target_semaphore(%run_scoped3A : memref<!tpu.dma_semaphore, #tpu.memory_space<semaphore_mem>>)
      %dma_wait3A = arith.constant 0 : i32
      %dma_wait3A_18 = arith.constant 0 : i32
      %dma_wait3A_19 = tpu.memref_slice %arg2[%arg0, %arg1, %dma_wait3A, %dma_wait3A_18] : memref<2x16x125x40xi32, #tpu.memory_space<hbm>> -> memref<1x1x125x40xi32, #tpu.memory_space<hbm>>
      %dma_wait3A_20 = tpu.memref_squeeze %dma_wait3A_19 : memref<1x1x125x40xi32, #tpu.memory_space<hbm>> -> memref<125x40xi32, #tpu.memory_space<hbm>>
      %dma_wait3A_21 = arith.constant 0 : i32
      %dma_wait3A_22 = arith.constant 0 : i32
      %dma_wait3A_23 = tpu.memref_slice %arg2[%arg0, %arg1, %dma_wait3A_21, %dma_wait3A_22] : memref<2x16x125x40xi32, #tpu.memory_space<hbm>> -> memref<1x1x125x40xi32, #tpu.memory_space<hbm>>
      %dma_wait3A_24 = tpu.memref_squeeze %dma_wait3A_23 : memref<1x1x125x40xi32, #tpu.memory_space<hbm>> -> memref<125x40xi32, #tpu.memory_space<hbm>>
      tpu.wait_dma2 semaphore(%run_scoped3A : memref<!tpu.dma_semaphore, #tpu.memory_space<semaphore_mem>>) src(%dma_wait3A_24 : memref<125x40xi32, #tpu.memory_space<hbm>>) dst(%arg6 : memref<125x40xi32, #tpu.memory_space<vmem>>)
      tpu.yield
    }) : () -> ()
    "tpu.region"() ({
      %run_scoped3A = tpu.sem_alloc : memref<!tpu.dma_semaphore, #tpu.memory_space<semaphore_mem>>
      tpu.enqueue_dma source(%arg3 : memref<40x128xf32, #tpu.memory_space<hbm>>) target(%arg7 : memref<40x128xf32, #tpu.memory_space<vmem>>) target_semaphore(%run_scoped3A : memref<!tpu.dma_semaphore, #tpu.memory_space<semaphore_mem>>)
      tpu.wait_dma2 semaphore(%run_scoped3A : memref<!tpu.dma_semaphore, #tpu.memory_space<semaphore_mem>>) src(%arg3 : memref<40x128xf32, #tpu.memory_space<hbm>>) dst(%arg7 : memref<40x128xf32, #tpu.memory_space<vmem>>)
      tpu.yield
    }) : () -> ()
    %mul3A = arith.constant 640 : i32
    %mul3A_0 = arith.muli %arg1, %mul3A : i32
    "tpu.region"() ({
      %run_scoped3A = tpu.sem_alloc : memref<!tpu.dma_semaphore, #tpu.memory_space<semaphore_mem>>
      %dma_start3A = arith.constant 0 : i32
      %dma_start3A_11 = tpu.memref_slice %arg8[%mul3A_0, %dma_start3A] : memref<10240x128xf32, #tpu.memory_space<vmem_shared>> -> memref<640x128xf32, #tpu.memory_space<vmem_shared>>
      tpu.enqueue_dma source(%arg4 : memref<640x128xf32, #tpu.memory_space<hbm>>) target(%dma_start3A_11 : memref<640x128xf32, #tpu.memory_space<vmem_shared>>) target_semaphore(%run_scoped3A : memref<!tpu.dma_semaphore, #tpu.memory_space<semaphore_mem>>)
      %dma_wait3A = arith.constant 0 : i32
      %dma_wait3A_12 = tpu.memref_slice %arg8[%mul3A_0, %dma_wait3A] : memref<10240x128xf32, #tpu.memory_space<vmem_shared>> -> memref<640x128xf32, #tpu.memory_space<vmem_shared>>
      tpu.wait_dma2 semaphore(%run_scoped3A : memref<!tpu.dma_semaphore, #tpu.memory_space<semaphore_mem>>) src(%arg4 : memref<640x128xf32, #tpu.memory_space<hbm>>) dst(%dma_wait3A_12 : memref<640x128xf32, #tpu.memory_space<vmem_shared>>)
      tpu.yield
    }) : () -> ()
    %barrier3A = arith.constant 0 : index
    tpu.barrier barrier_id(%barrier3A)
    %scan3A = arith.constant 0 : i32
    %scan3A_1 = arith.constant 0 : i32
    %scan3A_2 = arith.constant 125 : i32
    %scan3A_3 = arith.addi %scan3A_1, %scan3A_2 : i32
    %scan3A_4 = arith.constant 1 : i32
    scf.for %scan3A_11 = %scan3A_1 to %scan3A_3 step %scan3A_4  : i32 {
      "tpu.region"() ({
        %run_scoped3A = tpu.sem_alloc : memref<!tpu.dma_semaphore, #tpu.memory_space<semaphore_mem>>
        %dma_start3A = arith.constant 0 : i32
        %dma_start3A_12 = tpu.memref_slice %arg6[%scan3A_11, %dma_start3A] : memref<125x40xi32, #tpu.memory_space<vmem>> -> memref<1x40xi32, #tpu.memory_space<vmem>>
        %dma_start3A_13 = tpu.memref_squeeze %dma_start3A_12 : memref<1x40xi32, #tpu.memory_space<vmem>> -> memref<40xi32, #tpu.memory_space<vmem>>
        %dma_start3A_14 = arith.constant 0 : i32
        %dma_start3A_15 = arith.constant 0 : i32
        %dma_start3A_16 = tpu.memref_slice %arg8[%dma_start3A_14, %dma_start3A_15] : memref<10240x128xf32, #tpu.memory_space<vmem_shared>> -> memref<10240x128xf32, #tpu.memory_space<vmem_shared>>
        tpu.enqueue_indirect_dma source(%arg7 : memref<40x128xf32, #tpu.memory_space<vmem>>) target(%dma_start3A_16 : memref<10240x128xf32, #tpu.memory_space<vmem_shared>>) offsets(%dma_start3A_13 : memref<40xi32, #tpu.memory_space<vmem>>) semaphore(%run_scoped3A : memref<!tpu.dma_semaphore, #tpu.memory_space<semaphore_mem>>) {add = true}
        %dma_wait3A = arith.constant 0 : i32
        %dma_wait3A_17 = tpu.memref_slice %arg6[%scan3A_11, %dma_wait3A] : memref<125x40xi32, #tpu.memory_space<vmem>> -> memref<1x40xi32, #tpu.memory_space<vmem>>
        %dma_wait3A_18 = tpu.memref_squeeze %dma_wait3A_17 : memref<1x40xi32, #tpu.memory_space<vmem>> -> memref<40xi32, #tpu.memory_space<vmem>>
        %dma_wait3A_19 = arith.constant 0 : i32
        %dma_wait3A_20 = arith.constant 0 : i32
        %dma_wait3A_21 = tpu.memref_slice %arg8[%dma_wait3A_19, %dma_wait3A_20] : memref<10240x128xf32, #tpu.memory_space<vmem_shared>> -> memref<10240x128xf32, #tpu.memory_space<vmem_shared>>
        tpu.wait_indirect_dma semaphore(%run_scoped3A : memref<!tpu.dma_semaphore, #tpu.memory_space<semaphore_mem>>) src(%arg7 : memref<40x128xf32, #tpu.memory_space<vmem>>) dst(%dma_wait3A_21 : memref<10240x128xf32, #tpu.memory_space<vmem_shared>>)
        tpu.yield
      }) : () -> ()
    }
    %scan3A_5 = arith.constant 125 : i32
    %barrier3A_6 = arith.constant 0 : index
    tpu.barrier barrier_id(%barrier3A_6)
    %mul3A_7 = arith.constant 640 : i32
    %mul3A_8 = arith.muli %arg1, %mul3A_7 : i32
    %mul3A_9 = arith.constant 640 : i32
    %mul3A_10 = arith.muli %arg1, %mul3A_9 : i32
    "tpu.region"() ({
      %run_scoped3A = tpu.sem_alloc : memref<!tpu.dma_semaphore, #tpu.memory_space<semaphore_mem>>
      %dma_start3A = arith.constant 0 : i32
      %dma_start3A_11 = tpu.memref_slice %arg5[%arg0, %mul3A_10, %dma_start3A] : memref<2x10240x128xf32, #tpu.memory_space<hbm>> -> memref<1x640x128xf32, #tpu.memory_space<hbm>>
      %dma_start3A_12 = tpu.memref_squeeze %dma_start3A_11 : memref<1x640x128xf32, #tpu.memory_space<hbm>> -> memref<640x128xf32, #tpu.memory_space<hbm>>
      %dma_start3A_13 = arith.constant 0 : i32
      %dma_start3A_14 = tpu.memref_slice %arg8[%mul3A_8, %dma_start3A_13] : memref<10240x128xf32, #tpu.memory_space<vmem_shared>> -> memref<640x128xf32, #tpu.memory_space<vmem_shared>>
      tpu.enqueue_dma source(%dma_start3A_14 : memref<640x128xf32, #tpu.memory_space<vmem_shared>>) target(%dma_start3A_12 : memref<640x128xf32, #tpu.memory_space<hbm>>) target_semaphore(%run_scoped3A : memref<!tpu.dma_semaphore, #tpu.memory_space<semaphore_mem>>)
      %dma_wait3A = arith.constant 0 : i32
      %dma_wait3A_15 = tpu.memref_slice %arg5[%arg0, %mul3A_10, %dma_wait3A] : memref<2x10240x128xf32, #tpu.memory_space<hbm>> -> memref<1x640x128xf32, #tpu.memory_space<hbm>>
      %dma_wait3A_16 = tpu.memref_squeeze %dma_wait3A_15 : memref<1x640x128xf32, #tpu.memory_space<hbm>> -> memref<640x128xf32, #tpu.memory_space<hbm>>
      %dma_wait3A_17 = arith.constant 0 : i32
      %dma_wait3A_18 = tpu.memref_slice %arg8[%mul3A_8, %dma_wait3A_17] : memref<10240x128xf32, #tpu.memory_space<vmem_shared>> -> memref<640x128xf32, #tpu.memory_space<vmem_shared>>
      tpu.wait_dma2 semaphore(%run_scoped3A : memref<!tpu.dma_semaphore, #tpu.memory_space<semaphore_mem>>) src(%dma_wait3A_18 : memref<640x128xf32, #tpu.memory_space<vmem_shared>>) dst(%dma_wait3A_16 : memref<640x128xf32, #tpu.memory_space<hbm>>)
      tpu.yield
    }) : () -> ()
    return
  }
}

#map = affine_map<(d0, d1) -> (0, 0)>
#map1 = affine_map<(d0, d1) -> (0, 0, 0, 0, 0)>
#map2 = affine_map<(d0, d1) -> (0, 0, 0)>
module attributes {stable_mosaic.version = 14 : i64} {
  func.func @_scatter_kernel(%arg0: i32, %arg1: i32, %arg2: memref<20000x128xf32, #tpu.memory_space<hbm>>, %arg3: memref<2x16x125x2x80xi32, #tpu.memory_space<hbm>>, %arg4: memref<640x128xf32, #tpu.memory_space<hbm>>, %arg5: memref<2x10240x128xf32, #tpu.memory_space<hbm>>, %arg6: memref<2x80xi32, #tpu.memory_space<vmem>>, %arg7: memref<2x80xi32, #tpu.memory_space<vmem>>, %arg8: memref<80x128xf32, #tpu.memory_space<vmem>>, %arg9: memref<80x128xf32, #tpu.memory_space<vmem>>, %arg10: memref<!tpu.dma_semaphore, #tpu.memory_space<semaphore_mem>>, %arg11: memref<!tpu.dma_semaphore, #tpu.memory_space<semaphore_mem>>, %arg12: memref<!tpu.dma_semaphore, #tpu.memory_space<semaphore_mem>>, %arg13: memref<!tpu.dma_semaphore, #tpu.memory_space<semaphore_mem>>, %arg14: memref<10240x128xf32, #tpu.memory_space<vmem_shared>>) attributes {dimension_semantics = [#tpu.dimension_semantics<core_parallel>, #tpu.dimension_semantics<subcore_parallel>], iteration_bounds = array<i64: 2, 16>, scalar_prefetch = 0 : i64, scratch_operands = 9 : i64, tpu.core_type = #tpu.core_type<sc_vector_subcore>, window_params = [{transform_indices = #map}, {transform_indices = #map1}, {transform_indices = #map}, {transform_indices = #map2}]} {
    %mul3A = arith.constant 640 : i32
    %mul3A_0 = arith.muli %arg1, %mul3A : i32
    "tpu.region"() ({
      %run_scoped3A_107 = tpu.sem_alloc : memref<!tpu.dma_semaphore, #tpu.memory_space<semaphore_mem>>
      %dma_start3A_108 = arith.constant 0 : i32
      %dma_start3A_109 = tpu.memref_slice %arg14[%mul3A_0, %dma_start3A_108] : memref<10240x128xf32, #tpu.memory_space<vmem_shared>> -> memref<640x128xf32, #tpu.memory_space<vmem_shared>>
      tpu.enqueue_dma source(%arg4 : memref<640x128xf32, #tpu.memory_space<hbm>>) target(%dma_start3A_109 : memref<640x128xf32, #tpu.memory_space<vmem_shared>>) target_semaphore(%run_scoped3A_107 : memref<!tpu.dma_semaphore, #tpu.memory_space<semaphore_mem>>)
      %dma_wait3A_110 = arith.constant 0 : i32
      %dma_wait3A_111 = tpu.memref_slice %arg14[%mul3A_0, %dma_wait3A_110] : memref<10240x128xf32, #tpu.memory_space<vmem_shared>> -> memref<640x128xf32, #tpu.memory_space<vmem_shared>>
      tpu.wait_dma2 semaphore(%run_scoped3A_107 : memref<!tpu.dma_semaphore, #tpu.memory_space<semaphore_mem>>) src(%arg4 : memref<640x128xf32, #tpu.memory_space<hbm>>) dst(%dma_wait3A_111 : memref<640x128xf32, #tpu.memory_space<vmem_shared>>)
      tpu.yield
    }) : () -> ()
    %barrier3A = arith.constant 0 : index
    tpu.barrier barrier_id(%barrier3A)
    %dma_start3A = arith.constant 0 : i32
    %dma_start3A_1 = arith.constant 0 : i32
    %dma_start3A_2 = arith.constant 0 : i32
    %dma_start3A_3 = tpu.memref_slice %arg3[%arg0, %arg1, %dma_start3A, %dma_start3A_1, %dma_start3A_2] : memref<2x16x125x2x80xi32, #tpu.memory_space<hbm>> -> memref<1x1x1x2x80xi32, #tpu.memory_space<hbm>>
    %dma_start3A_4 = tpu.memref_squeeze %dma_start3A_3 : memref<1x1x1x2x80xi32, #tpu.memory_space<hbm>> -> memref<2x80xi32, #tpu.memory_space<hbm>>
    %dma_start3A_5 = arith.constant 0 : i32
    %dma_start3A_6 = arith.constant 0 : i32
    %dma_start3A_7 = tpu.memref_slice %arg3[%arg0, %arg1, %dma_start3A, %dma_start3A_5, %dma_start3A_6] : memref<2x16x125x2x80xi32, #tpu.memory_space<hbm>> -> memref<1x1x1x2x80xi32, #tpu.memory_space<hbm>>
    %dma_start3A_8 = tpu.memref_squeeze %dma_start3A_7 : memref<1x1x1x2x80xi32, #tpu.memory_space<hbm>> -> memref<2x80xi32, #tpu.memory_space<hbm>>
    tpu.enqueue_dma source(%dma_start3A_8 : memref<2x80xi32, #tpu.memory_space<hbm>>) target(%arg6 : memref<2x80xi32, #tpu.memory_space<vmem>>) target_semaphore(%arg10 : memref<!tpu.dma_semaphore, #tpu.memory_space<semaphore_mem>>)
    %dma_start3A_9 = arith.constant 1 : i32
    %dma_start3A_10 = arith.constant 0 : i32
    %dma_start3A_11 = arith.constant 0 : i32
    %dma_start3A_12 = tpu.memref_slice %arg3[%arg0, %arg1, %dma_start3A_9, %dma_start3A_10, %dma_start3A_11] : memref<2x16x125x2x80xi32, #tpu.memory_space<hbm>> -> memref<1x1x1x2x80xi32, #tpu.memory_space<hbm>>
    %dma_start3A_13 = tpu.memref_squeeze %dma_start3A_12 : memref<1x1x1x2x80xi32, #tpu.memory_space<hbm>> -> memref<2x80xi32, #tpu.memory_space<hbm>>
    %dma_start3A_14 = arith.constant 0 : i32
    %dma_start3A_15 = arith.constant 0 : i32
    %dma_start3A_16 = tpu.memref_slice %arg3[%arg0, %arg1, %dma_start3A_9, %dma_start3A_14, %dma_start3A_15] : memref<2x16x125x2x80xi32, #tpu.memory_space<hbm>> -> memref<1x1x1x2x80xi32, #tpu.memory_space<hbm>>
    %dma_start3A_17 = tpu.memref_squeeze %dma_start3A_16 : memref<1x1x1x2x80xi32, #tpu.memory_space<hbm>> -> memref<2x80xi32, #tpu.memory_space<hbm>>
    tpu.enqueue_dma source(%dma_start3A_17 : memref<2x80xi32, #tpu.memory_space<hbm>>) target(%arg7 : memref<2x80xi32, #tpu.memory_space<vmem>>) target_semaphore(%arg11 : memref<!tpu.dma_semaphore, #tpu.memory_space<semaphore_mem>>)
    %dma_wait3A = arith.constant 0 : i32
    %dma_wait3A_18 = arith.constant 0 : i32
    %dma_wait3A_19 = arith.constant 0 : i32
    %dma_wait3A_20 = tpu.memref_slice %arg3[%arg0, %arg1, %dma_wait3A, %dma_wait3A_18, %dma_wait3A_19] : memref<2x16x125x2x80xi32, #tpu.memory_space<hbm>> -> memref<1x1x1x2x80xi32, #tpu.memory_space<hbm>>
    %dma_wait3A_21 = tpu.memref_squeeze %dma_wait3A_20 : memref<1x1x1x2x80xi32, #tpu.memory_space<hbm>> -> memref<2x80xi32, #tpu.memory_space<hbm>>
    %dma_wait3A_22 = arith.constant 0 : i32
    %dma_wait3A_23 = arith.constant 0 : i32
    %dma_wait3A_24 = tpu.memref_slice %arg3[%arg0, %arg1, %dma_wait3A, %dma_wait3A_22, %dma_wait3A_23] : memref<2x16x125x2x80xi32, #tpu.memory_space<hbm>> -> memref<1x1x1x2x80xi32, #tpu.memory_space<hbm>>
    %dma_wait3A_25 = tpu.memref_squeeze %dma_wait3A_24 : memref<1x1x1x2x80xi32, #tpu.memory_space<hbm>> -> memref<2x80xi32, #tpu.memory_space<hbm>>
    tpu.wait_dma2 semaphore(%arg10 : memref<!tpu.dma_semaphore, #tpu.memory_space<semaphore_mem>>) src(%dma_wait3A_25 : memref<2x80xi32, #tpu.memory_space<hbm>>) dst(%arg6 : memref<2x80xi32, #tpu.memory_space<vmem>>)
    %dma_start3A_26 = arith.constant 0 : i32
    %dma_start3A_27 = arith.constant 0 : i32
    %dma_start3A_28 = tpu.memref_slice %arg6[%dma_start3A_26, %dma_start3A_27] : memref<2x80xi32, #tpu.memory_space<vmem>> -> memref<1x80xi32, #tpu.memory_space<vmem>>
    %dma_start3A_29 = tpu.memref_squeeze %dma_start3A_28 : memref<1x80xi32, #tpu.memory_space<vmem>> -> memref<80xi32, #tpu.memory_space<vmem>>
    %dma_start3A_30 = arith.constant 0 : i32
    %dma_start3A_31 = arith.constant 0 : i32
    %dma_start3A_32 = tpu.memref_slice %arg2[%dma_start3A_30, %dma_start3A_31] : memref<20000x128xf32, #tpu.memory_space<hbm>> -> memref<20000x128xf32, #tpu.memory_space<hbm>>
    tpu.enqueue_indirect_dma source(%dma_start3A_32 : memref<20000x128xf32, #tpu.memory_space<hbm>>) target(%arg8 : memref<80x128xf32, #tpu.memory_space<vmem>>) offsets(%dma_start3A_29 : memref<80xi32, #tpu.memory_space<vmem>>) semaphore(%arg12 : memref<!tpu.dma_semaphore, #tpu.memory_space<semaphore_mem>>)
    %dma_wait3A_33 = arith.constant 1 : i32
    %dma_wait3A_34 = arith.constant 0 : i32
    %dma_wait3A_35 = arith.constant 0 : i32
    %dma_wait3A_36 = tpu.memref_slice %arg3[%arg0, %arg1, %dma_wait3A_33, %dma_wait3A_34, %dma_wait3A_35] : memref<2x16x125x2x80xi32, #tpu.memory_space<hbm>> -> memref<1x1x1x2x80xi32, #tpu.memory_space<hbm>>
    %dma_wait3A_37 = tpu.memref_squeeze %dma_wait3A_36 : memref<1x1x1x2x80xi32, #tpu.memory_space<hbm>> -> memref<2x80xi32, #tpu.memory_space<hbm>>
    %dma_wait3A_38 = arith.constant 0 : i32
    %dma_wait3A_39 = arith.constant 0 : i32
    %dma_wait3A_40 = tpu.memref_slice %arg3[%arg0, %arg1, %dma_wait3A_33, %dma_wait3A_38, %dma_wait3A_39] : memref<2x16x125x2x80xi32, #tpu.memory_space<hbm>> -> memref<1x1x1x2x80xi32, #tpu.memory_space<hbm>>
    %dma_wait3A_41 = tpu.memref_squeeze %dma_wait3A_40 : memref<1x1x1x2x80xi32, #tpu.memory_space<hbm>> -> memref<2x80xi32, #tpu.memory_space<hbm>>
    tpu.wait_dma2 semaphore(%arg11 : memref<!tpu.dma_semaphore, #tpu.memory_space<semaphore_mem>>) src(%dma_wait3A_41 : memref<2x80xi32, #tpu.memory_space<hbm>>) dst(%arg7 : memref<2x80xi32, #tpu.memory_space<vmem>>)
    %dma_start3A_42 = arith.constant 0 : i32
    %dma_start3A_43 = arith.constant 0 : i32
    %dma_start3A_44 = tpu.memref_slice %arg7[%dma_start3A_42, %dma_start3A_43] : memref<2x80xi32, #tpu.memory_space<vmem>> -> memref<1x80xi32, #tpu.memory_space<vmem>>
    %dma_start3A_45 = tpu.memref_squeeze %dma_start3A_44 : memref<1x80xi32, #tpu.memory_space<vmem>> -> memref<80xi32, #tpu.memory_space<vmem>>
    %dma_start3A_46 = arith.constant 0 : i32
    %dma_start3A_47 = arith.constant 0 : i32
    %dma_start3A_48 = tpu.memref_slice %arg2[%dma_start3A_46, %dma_start3A_47] : memref<20000x128xf32, #tpu.memory_space<hbm>> -> memref<20000x128xf32, #tpu.memory_space<hbm>>
    tpu.enqueue_indirect_dma source(%dma_start3A_48 : memref<20000x128xf32, #tpu.memory_space<hbm>>) target(%arg9 : memref<80x128xf32, #tpu.memory_space<vmem>>) offsets(%dma_start3A_45 : memref<80xi32, #tpu.memory_space<vmem>>) semaphore(%arg13 : memref<!tpu.dma_semaphore, #tpu.memory_space<semaphore_mem>>)
    %scan3A = arith.constant 0 : i32
    %scan3A_49 = arith.constant 0 : i32
    %scan3A_50 = arith.constant 61 : i32
    %scan3A_51 = arith.addi %scan3A_49, %scan3A_50 : i32
    %scan3A_52 = arith.constant 1 : i32
    scf.for %scan3A_107 = %scan3A_49 to %scan3A_51 step %scan3A_52  : i32 {
      %mul3A_108 = arith.constant 2 : i32
      %mul3A_109 = arith.muli %mul3A_108, %scan3A_107 : i32
      %mul3A_110 = arith.constant 2 : i32
      %mul3A_111 = arith.muli %mul3A_110, %scan3A_107 : i32
      %add3A = arith.constant 1 : i32
      %add3A_112 = arith.addi %mul3A_111, %add3A : i32
      %dma_wait3A_113 = arith.constant 0 : i32
      %dma_wait3A_114 = arith.constant 0 : i32
      %dma_wait3A_115 = tpu.memref_slice %arg6[%dma_wait3A_113, %dma_wait3A_114] : memref<2x80xi32, #tpu.memory_space<vmem>> -> memref<1x80xi32, #tpu.memory_space<vmem>>
      %dma_wait3A_116 = tpu.memref_squeeze %dma_wait3A_115 : memref<1x80xi32, #tpu.memory_space<vmem>> -> memref<80xi32, #tpu.memory_space<vmem>>
      %dma_wait3A_117 = arith.constant 0 : i32
      %dma_wait3A_118 = arith.constant 0 : i32
      %dma_wait3A_119 = tpu.memref_slice %arg2[%dma_wait3A_117, %dma_wait3A_118] : memref<20000x128xf32, #tpu.memory_space<hbm>> -> memref<20000x128xf32, #tpu.memory_space<hbm>>
      tpu.wait_indirect_dma semaphore(%arg12 : memref<!tpu.dma_semaphore, #tpu.memory_space<semaphore_mem>>) src(%dma_wait3A_119 : memref<20000x128xf32, #tpu.memory_space<hbm>>) dst(%arg8 : memref<80x128xf32, #tpu.memory_space<vmem>>)
      %run_scoped3A_120 = arith.constant 1 : i32
      "tpu.region"() ({
        %run_scoped3A_183 = tpu.sem_alloc : memref<!tpu.dma_semaphore, #tpu.memory_space<semaphore_mem>>
        %dma_start3A_184 = arith.constant 0 : i32
        %dma_start3A_185 = tpu.memref_slice %arg6[%run_scoped3A_120, %dma_start3A_184] : memref<2x80xi32, #tpu.memory_space<vmem>> -> memref<1x80xi32, #tpu.memory_space<vmem>>
        %dma_start3A_186 = tpu.memref_squeeze %dma_start3A_185 : memref<1x80xi32, #tpu.memory_space<vmem>> -> memref<80xi32, #tpu.memory_space<vmem>>
        %dma_start3A_187 = arith.constant 0 : i32
        %dma_start3A_188 = arith.constant 0 : i32
        %dma_start3A_189 = tpu.memref_slice %arg14[%dma_start3A_187, %dma_start3A_188] : memref<10240x128xf32, #tpu.memory_space<vmem_shared>> -> memref<10240x128xf32, #tpu.memory_space<vmem_shared>>
        tpu.enqueue_indirect_dma source(%arg8 : memref<80x128xf32, #tpu.memory_space<vmem>>) target(%dma_start3A_189 : memref<10240x128xf32, #tpu.memory_space<vmem_shared>>) offsets(%dma_start3A_186 : memref<80xi32, #tpu.memory_space<vmem>>) semaphore(%run_scoped3A_183 : memref<!tpu.dma_semaphore, #tpu.memory_space<semaphore_mem>>) {add = true}
        %dma_wait3A_190 = arith.constant 0 : i32
        %dma_wait3A_191 = tpu.memref_slice %arg6[%run_scoped3A_120, %dma_wait3A_190] : memref<2x80xi32, #tpu.memory_space<vmem>> -> memref<1x80xi32, #tpu.memory_space<vmem>>
        %dma_wait3A_192 = tpu.memref_squeeze %dma_wait3A_191 : memref<1x80xi32, #tpu.memory_space<vmem>> -> memref<80xi32, #tpu.memory_space<vmem>>
        %dma_wait3A_193 = arith.constant 0 : i32
        %dma_wait3A_194 = arith.constant 0 : i32
        %dma_wait3A_195 = tpu.memref_slice %arg14[%dma_wait3A_193, %dma_wait3A_194] : memref<10240x128xf32, #tpu.memory_space<vmem_shared>> -> memref<10240x128xf32, #tpu.memory_space<vmem_shared>>
        tpu.wait_indirect_dma semaphore(%run_scoped3A_183 : memref<!tpu.dma_semaphore, #tpu.memory_space<semaphore_mem>>) src(%arg8 : memref<80x128xf32, #tpu.memory_space<vmem>>) dst(%dma_wait3A_195 : memref<10240x128xf32, #tpu.memory_space<vmem_shared>>)
        tpu.yield
      }) : () -> ()
      %add3A_121 = arith.constant 2 : i32
      %add3A_122 = arith.addi %mul3A_109, %add3A_121 : i32
      %dma_start3A_123 = arith.constant 0 : i32
      %dma_start3A_124 = arith.constant 0 : i32
      %dma_start3A_125 = tpu.memref_slice %arg3[%arg0, %arg1, %add3A_122, %dma_start3A_123, %dma_start3A_124] : memref<2x16x125x2x80xi32, #tpu.memory_space<hbm>> -> memref<1x1x1x2x80xi32, #tpu.memory_space<hbm>>
      %dma_start3A_126 = tpu.memref_squeeze %dma_start3A_125 : memref<1x1x1x2x80xi32, #tpu.memory_space<hbm>> -> memref<2x80xi32, #tpu.memory_space<hbm>>
      %dma_start3A_127 = arith.constant 0 : i32
      %dma_start3A_128 = arith.constant 0 : i32
      %dma_start3A_129 = tpu.memref_slice %arg3[%arg0, %arg1, %add3A_122, %dma_start3A_127, %dma_start3A_128] : memref<2x16x125x2x80xi32, #tpu.memory_space<hbm>> -> memref<1x1x1x2x80xi32, #tpu.memory_space<hbm>>
      %dma_start3A_130 = tpu.memref_squeeze %dma_start3A_129 : memref<1x1x1x2x80xi32, #tpu.memory_space<hbm>> -> memref<2x80xi32, #tpu.memory_space<hbm>>
      tpu.enqueue_dma source(%dma_start3A_130 : memref<2x80xi32, #tpu.memory_space<hbm>>) target(%arg6 : memref<2x80xi32, #tpu.memory_space<vmem>>) target_semaphore(%arg10 : memref<!tpu.dma_semaphore, #tpu.memory_space<semaphore_mem>>)
      %dma_wait3A_131 = arith.constant 0 : i32
      %dma_wait3A_132 = arith.constant 0 : i32
      %dma_wait3A_133 = tpu.memref_slice %arg7[%dma_wait3A_131, %dma_wait3A_132] : memref<2x80xi32, #tpu.memory_space<vmem>> -> memref<1x80xi32, #tpu.memory_space<vmem>>
      %dma_wait3A_134 = tpu.memref_squeeze %dma_wait3A_133 : memref<1x80xi32, #tpu.memory_space<vmem>> -> memref<80xi32, #tpu.memory_space<vmem>>
      %dma_wait3A_135 = arith.constant 0 : i32
      %dma_wait3A_136 = arith.constant 0 : i32
      %dma_wait3A_137 = tpu.memref_slice %arg2[%dma_wait3A_135, %dma_wait3A_136] : memref<20000x128xf32, #tpu.memory_space<hbm>> -> memref<20000x128xf32, #tpu.memory_space<hbm>>
      tpu.wait_indirect_dma semaphore(%arg13 : memref<!tpu.dma_semaphore, #tpu.memory_space<semaphore_mem>>) src(%dma_wait3A_137 : memref<20000x128xf32, #tpu.memory_space<hbm>>) dst(%arg9 : memref<80x128xf32, #tpu.memory_space<vmem>>)
      %run_scoped3A_138 = arith.constant 1 : i32
      "tpu.region"() ({
        %run_scoped3A_183 = tpu.sem_alloc : memref<!tpu.dma_semaphore, #tpu.memory_space<semaphore_mem>>
        %dma_start3A_184 = arith.constant 0 : i32
        %dma_start3A_185 = tpu.memref_slice %arg7[%run_scoped3A_138, %dma_start3A_184] : memref<2x80xi32, #tpu.memory_space<vmem>> -> memref<1x80xi32, #tpu.memory_space<vmem>>
        %dma_start3A_186 = tpu.memref_squeeze %dma_start3A_185 : memref<1x80xi32, #tpu.memory_space<vmem>> -> memref<80xi32, #tpu.memory_space<vmem>>
        %dma_start3A_187 = arith.constant 0 : i32
        %dma_start3A_188 = arith.constant 0 : i32
        %dma_start3A_189 = tpu.memref_slice %arg14[%dma_start3A_187, %dma_start3A_188] : memref<10240x128xf32, #tpu.memory_space<vmem_shared>> -> memref<10240x128xf32, #tpu.memory_space<vmem_shared>>
        tpu.enqueue_indirect_dma source(%arg9 : memref<80x128xf32, #tpu.memory_space<vmem>>) target(%dma_start3A_189 : memref<10240x128xf32, #tpu.memory_space<vmem_shared>>) offsets(%dma_start3A_186 : memref<80xi32, #tpu.memory_space<vmem>>) semaphore(%run_scoped3A_183 : memref<!tpu.dma_semaphore, #tpu.memory_space<semaphore_mem>>) {add = true}
        %dma_wait3A_190 = arith.constant 0 : i32
        %dma_wait3A_191 = tpu.memref_slice %arg7[%run_scoped3A_138, %dma_wait3A_190] : memref<2x80xi32, #tpu.memory_space<vmem>> -> memref<1x80xi32, #tpu.memory_space<vmem>>
        %dma_wait3A_192 = tpu.memref_squeeze %dma_wait3A_191 : memref<1x80xi32, #tpu.memory_space<vmem>> -> memref<80xi32, #tpu.memory_space<vmem>>
        %dma_wait3A_193 = arith.constant 0 : i32
        %dma_wait3A_194 = arith.constant 0 : i32
        %dma_wait3A_195 = tpu.memref_slice %arg14[%dma_wait3A_193, %dma_wait3A_194] : memref<10240x128xf32, #tpu.memory_space<vmem_shared>> -> memref<10240x128xf32, #tpu.memory_space<vmem_shared>>
        tpu.wait_indirect_dma semaphore(%run_scoped3A_183 : memref<!tpu.dma_semaphore, #tpu.memory_space<semaphore_mem>>) src(%arg9 : memref<80x128xf32, #tpu.memory_space<vmem>>) dst(%dma_wait3A_195 : memref<10240x128xf32, #tpu.memory_space<vmem_shared>>)
        tpu.yield
      }) : () -> ()
      %add3A_139 = arith.constant 2 : i32
      %add3A_140 = arith.addi %add3A_112, %add3A_139 : i32
      %dma_start3A_141 = arith.constant 0 : i32
      %dma_start3A_142 = arith.constant 0 : i32
      %dma_start3A_143 = tpu.memref_slice %arg3[%arg0, %arg1, %add3A_140, %dma_start3A_141, %dma_start3A_142] : memref<2x16x125x2x80xi32, #tpu.memory_space<hbm>> -> memref<1x1x1x2x80xi32, #tpu.memory_space<hbm>>
      %dma_start3A_144 = tpu.memref_squeeze %dma_start3A_143 : memref<1x1x1x2x80xi32, #tpu.memory_space<hbm>> -> memref<2x80xi32, #tpu.memory_space<hbm>>
      %dma_start3A_145 = arith.constant 0 : i32
      %dma_start3A_146 = arith.constant 0 : i32
      %dma_start3A_147 = tpu.memref_slice %arg3[%arg0, %arg1, %add3A_140, %dma_start3A_145, %dma_start3A_146] : memref<2x16x125x2x80xi32, #tpu.memory_space<hbm>> -> memref<1x1x1x2x80xi32, #tpu.memory_space<hbm>>
      %dma_start3A_148 = tpu.memref_squeeze %dma_start3A_147 : memref<1x1x1x2x80xi32, #tpu.memory_space<hbm>> -> memref<2x80xi32, #tpu.memory_space<hbm>>
      tpu.enqueue_dma source(%dma_start3A_148 : memref<2x80xi32, #tpu.memory_space<hbm>>) target(%arg7 : memref<2x80xi32, #tpu.memory_space<vmem>>) target_semaphore(%arg11 : memref<!tpu.dma_semaphore, #tpu.memory_space<semaphore_mem>>)
      %add3A_149 = arith.constant 2 : i32
      %add3A_150 = arith.addi %mul3A_109, %add3A_149 : i32
      %dma_wait3A_151 = arith.constant 0 : i32
      %dma_wait3A_152 = arith.constant 0 : i32
      %dma_wait3A_153 = tpu.memref_slice %arg3[%arg0, %arg1, %add3A_150, %dma_wait3A_151, %dma_wait3A_152] : memref<2x16x125x2x80xi32, #tpu.memory_space<hbm>> -> memref<1x1x1x2x80xi32, #tpu.memory_space<hbm>>
      %dma_wait3A_154 = tpu.memref_squeeze %dma_wait3A_153 : memref<1x1x1x2x80xi32, #tpu.memory_space<hbm>> -> memref<2x80xi32, #tpu.memory_space<hbm>>
      %dma_wait3A_155 = arith.constant 0 : i32
      %dma_wait3A_156 = arith.constant 0 : i32
      %dma_wait3A_157 = tpu.memref_slice %arg3[%arg0, %arg1, %add3A_150, %dma_wait3A_155, %dma_wait3A_156] : memref<2x16x125x2x80xi32, #tpu.memory_space<hbm>> -> memref<1x1x1x2x80xi32, #tpu.memory_space<hbm>>
      %dma_wait3A_158 = tpu.memref_squeeze %dma_wait3A_157 : memref<1x1x1x2x80xi32, #tpu.memory_space<hbm>> -> memref<2x80xi32, #tpu.memory_space<hbm>>
      tpu.wait_dma2 semaphore(%arg10 : memref<!tpu.dma_semaphore, #tpu.memory_space<semaphore_mem>>) src(%dma_wait3A_158 : memref<2x80xi32, #tpu.memory_space<hbm>>) dst(%arg6 : memref<2x80xi32, #tpu.memory_space<vmem>>)
      %dma_start3A_159 = arith.constant 0 : i32
      %dma_start3A_160 = arith.constant 0 : i32
      %dma_start3A_161 = tpu.memref_slice %arg6[%dma_start3A_159, %dma_start3A_160] : memref<2x80xi32, #tpu.memory_space<vmem>> -> memref<1x80xi32, #tpu.memory_space<vmem>>
      %dma_start3A_162 = tpu.memref_squeeze %dma_start3A_161 : memref<1x80xi32, #tpu.memory_space<vmem>> -> memref<80xi32, #tpu.memory_space<vmem>>
      %dma_start3A_163 = arith.constant 0 : i32
      %dma_start3A_164 = arith.constant 0 : i32
      %dma_start3A_165 = tpu.memref_slice %arg2[%dma_start3A_163, %dma_start3A_164] : memref<20000x128xf32, #tpu.memory_space<hbm>> -> memref<20000x128xf32, #tpu.memory_space<hbm>>
      tpu.enqueue_indirect_dma source(%dma_start3A_165 : memref<20000x128xf32, #tpu.memory_space<hbm>>) target(%arg8 : memref<80x128xf32, #tpu.memory_space<vmem>>) offsets(%dma_start3A_162 : memref<80xi32, #tpu.memory_space<vmem>>) semaphore(%arg12 : memref<!tpu.dma_semaphore, #tpu.memory_space<semaphore_mem>>)
      %add3A_166 = arith.constant 2 : i32
      %add3A_167 = arith.addi %add3A_112, %add3A_166 : i32
      %dma_wait3A_168 = arith.constant 0 : i32
      %dma_wait3A_169 = arith.constant 0 : i32
      %dma_wait3A_170 = tpu.memref_slice %arg3[%arg0, %arg1, %add3A_167, %dma_wait3A_168, %dma_wait3A_169] : memref<2x16x125x2x80xi32, #tpu.memory_space<hbm>> -> memref<1x1x1x2x80xi32, #tpu.memory_space<hbm>>
      %dma_wait3A_171 = tpu.memref_squeeze %dma_wait3A_170 : memref<1x1x1x2x80xi32, #tpu.memory_space<hbm>> -> memref<2x80xi32, #tpu.memory_space<hbm>>
      %dma_wait3A_172 = arith.constant 0 : i32
      %dma_wait3A_173 = arith.constant 0 : i32
      %dma_wait3A_174 = tpu.memref_slice %arg3[%arg0, %arg1, %add3A_167, %dma_wait3A_172, %dma_wait3A_173] : memref<2x16x125x2x80xi32, #tpu.memory_space<hbm>> -> memref<1x1x1x2x80xi32, #tpu.memory_space<hbm>>
      %dma_wait3A_175 = tpu.memref_squeeze %dma_wait3A_174 : memref<1x1x1x2x80xi32, #tpu.memory_space<hbm>> -> memref<2x80xi32, #tpu.memory_space<hbm>>
      tpu.wait_dma2 semaphore(%arg11 : memref<!tpu.dma_semaphore, #tpu.memory_space<semaphore_mem>>) src(%dma_wait3A_175 : memref<2x80xi32, #tpu.memory_space<hbm>>) dst(%arg7 : memref<2x80xi32, #tpu.memory_space<vmem>>)
      %dma_start3A_176 = arith.constant 0 : i32
      %dma_start3A_177 = arith.constant 0 : i32
      %dma_start3A_178 = tpu.memref_slice %arg7[%dma_start3A_176, %dma_start3A_177] : memref<2x80xi32, #tpu.memory_space<vmem>> -> memref<1x80xi32, #tpu.memory_space<vmem>>
      %dma_start3A_179 = tpu.memref_squeeze %dma_start3A_178 : memref<1x80xi32, #tpu.memory_space<vmem>> -> memref<80xi32, #tpu.memory_space<vmem>>
      %dma_start3A_180 = arith.constant 0 : i32
      %dma_start3A_181 = arith.constant 0 : i32
      %dma_start3A_182 = tpu.memref_slice %arg2[%dma_start3A_180, %dma_start3A_181] : memref<20000x128xf32, #tpu.memory_space<hbm>> -> memref<20000x128xf32, #tpu.memory_space<hbm>>
      tpu.enqueue_indirect_dma source(%dma_start3A_182 : memref<20000x128xf32, #tpu.memory_space<hbm>>) target(%arg9 : memref<80x128xf32, #tpu.memory_space<vmem>>) offsets(%dma_start3A_179 : memref<80xi32, #tpu.memory_space<vmem>>) semaphore(%arg13 : memref<!tpu.dma_semaphore, #tpu.memory_space<semaphore_mem>>)
    }
    %scan3A_53 = arith.constant 61 : i32
    %dma_wait3A_54 = arith.constant 0 : i32
    %dma_wait3A_55 = arith.constant 0 : i32
    %dma_wait3A_56 = tpu.memref_slice %arg6[%dma_wait3A_54, %dma_wait3A_55] : memref<2x80xi32, #tpu.memory_space<vmem>> -> memref<1x80xi32, #tpu.memory_space<vmem>>
    %dma_wait3A_57 = tpu.memref_squeeze %dma_wait3A_56 : memref<1x80xi32, #tpu.memory_space<vmem>> -> memref<80xi32, #tpu.memory_space<vmem>>
    %dma_wait3A_58 = arith.constant 0 : i32
    %dma_wait3A_59 = arith.constant 0 : i32
    %dma_wait3A_60 = tpu.memref_slice %arg2[%dma_wait3A_58, %dma_wait3A_59] : memref<20000x128xf32, #tpu.memory_space<hbm>> -> memref<20000x128xf32, #tpu.memory_space<hbm>>
    tpu.wait_indirect_dma semaphore(%arg12 : memref<!tpu.dma_semaphore, #tpu.memory_space<semaphore_mem>>) src(%dma_wait3A_60 : memref<20000x128xf32, #tpu.memory_space<hbm>>) dst(%arg8 : memref<80x128xf32, #tpu.memory_space<vmem>>)
    %run_scoped3A = arith.constant 1 : i32
    "tpu.region"() ({
      %run_scoped3A_107 = tpu.sem_alloc : memref<!tpu.dma_semaphore, #tpu.memory_space<semaphore_mem>>
      %dma_start3A_108 = arith.constant 0 : i32
      %dma_start3A_109 = tpu.memref_slice %arg6[%run_scoped3A, %dma_start3A_108] : memref<2x80xi32, #tpu.memory_space<vmem>> -> memref<1x80xi32, #tpu.memory_space<vmem>>
      %dma_start3A_110 = tpu.memref_squeeze %dma_start3A_109 : memref<1x80xi32, #tpu.memory_space<vmem>> -> memref<80xi32, #tpu.memory_space<vmem>>
      %dma_start3A_111 = arith.constant 0 : i32
      %dma_start3A_112 = arith.constant 0 : i32
      %dma_start3A_113 = tpu.memref_slice %arg14[%dma_start3A_111, %dma_start3A_112] : memref<10240x128xf32, #tpu.memory_space<vmem_shared>> -> memref<10240x128xf32, #tpu.memory_space<vmem_shared>>
      tpu.enqueue_indirect_dma source(%arg8 : memref<80x128xf32, #tpu.memory_space<vmem>>) target(%dma_start3A_113 : memref<10240x128xf32, #tpu.memory_space<vmem_shared>>) offsets(%dma_start3A_110 : memref<80xi32, #tpu.memory_space<vmem>>) semaphore(%run_scoped3A_107 : memref<!tpu.dma_semaphore, #tpu.memory_space<semaphore_mem>>) {add = true}
      %dma_wait3A_114 = arith.constant 0 : i32
      %dma_wait3A_115 = tpu.memref_slice %arg6[%run_scoped3A, %dma_wait3A_114] : memref<2x80xi32, #tpu.memory_space<vmem>> -> memref<1x80xi32, #tpu.memory_space<vmem>>
      %dma_wait3A_116 = tpu.memref_squeeze %dma_wait3A_115 : memref<1x80xi32, #tpu.memory_space<vmem>> -> memref<80xi32, #tpu.memory_space<vmem>>
      %dma_wait3A_117 = arith.constant 0 : i32
      %dma_wait3A_118 = arith.constant 0 : i32
      %dma_wait3A_119 = tpu.memref_slice %arg14[%dma_wait3A_117, %dma_wait3A_118] : memref<10240x128xf32, #tpu.memory_space<vmem_shared>> -> memref<10240x128xf32, #tpu.memory_space<vmem_shared>>
      tpu.wait_indirect_dma semaphore(%run_scoped3A_107 : memref<!tpu.dma_semaphore, #tpu.memory_space<semaphore_mem>>) src(%arg8 : memref<80x128xf32, #tpu.memory_space<vmem>>) dst(%dma_wait3A_119 : memref<10240x128xf32, #tpu.memory_space<vmem_shared>>)
      tpu.yield
    }) : () -> ()
    %dma_start3A_61 = arith.constant 124 : i32
    %dma_start3A_62 = arith.constant 0 : i32
    %dma_start3A_63 = arith.constant 0 : i32
    %dma_start3A_64 = tpu.memref_slice %arg3[%arg0, %arg1, %dma_start3A_61, %dma_start3A_62, %dma_start3A_63] : memref<2x16x125x2x80xi32, #tpu.memory_space<hbm>> -> memref<1x1x1x2x80xi32, #tpu.memory_space<hbm>>
    %dma_start3A_65 = tpu.memref_squeeze %dma_start3A_64 : memref<1x1x1x2x80xi32, #tpu.memory_space<hbm>> -> memref<2x80xi32, #tpu.memory_space<hbm>>
    %dma_start3A_66 = arith.constant 0 : i32
    %dma_start3A_67 = arith.constant 0 : i32
    %dma_start3A_68 = tpu.memref_slice %arg3[%arg0, %arg1, %dma_start3A_61, %dma_start3A_66, %dma_start3A_67] : memref<2x16x125x2x80xi32, #tpu.memory_space<hbm>> -> memref<1x1x1x2x80xi32, #tpu.memory_space<hbm>>
    %dma_start3A_69 = tpu.memref_squeeze %dma_start3A_68 : memref<1x1x1x2x80xi32, #tpu.memory_space<hbm>> -> memref<2x80xi32, #tpu.memory_space<hbm>>
    tpu.enqueue_dma source(%dma_start3A_69 : memref<2x80xi32, #tpu.memory_space<hbm>>) target(%arg6 : memref<2x80xi32, #tpu.memory_space<vmem>>) target_semaphore(%arg10 : memref<!tpu.dma_semaphore, #tpu.memory_space<semaphore_mem>>)
    %dma_wait3A_70 = arith.constant 0 : i32
    %dma_wait3A_71 = arith.constant 0 : i32
    %dma_wait3A_72 = tpu.memref_slice %arg7[%dma_wait3A_70, %dma_wait3A_71] : memref<2x80xi32, #tpu.memory_space<vmem>> -> memref<1x80xi32, #tpu.memory_space<vmem>>
    %dma_wait3A_73 = tpu.memref_squeeze %dma_wait3A_72 : memref<1x80xi32, #tpu.memory_space<vmem>> -> memref<80xi32, #tpu.memory_space<vmem>>
    %dma_wait3A_74 = arith.constant 0 : i32
    %dma_wait3A_75 = arith.constant 0 : i32
    %dma_wait3A_76 = tpu.memref_slice %arg2[%dma_wait3A_74, %dma_wait3A_75] : memref<20000x128xf32, #tpu.memory_space<hbm>> -> memref<20000x128xf32, #tpu.memory_space<hbm>>
    tpu.wait_indirect_dma semaphore(%arg13 : memref<!tpu.dma_semaphore, #tpu.memory_space<semaphore_mem>>) src(%dma_wait3A_76 : memref<20000x128xf32, #tpu.memory_space<hbm>>) dst(%arg9 : memref<80x128xf32, #tpu.memory_space<vmem>>)
    %run_scoped3A_77 = arith.constant 1 : i32
    "tpu.region"() ({
      %run_scoped3A_107 = tpu.sem_alloc : memref<!tpu.dma_semaphore, #tpu.memory_space<semaphore_mem>>
      %dma_start3A_108 = arith.constant 0 : i32
      %dma_start3A_109 = tpu.memref_slice %arg7[%run_scoped3A_77, %dma_start3A_108] : memref<2x80xi32, #tpu.memory_space<vmem>> -> memref<1x80xi32, #tpu.memory_space<vmem>>
      %dma_start3A_110 = tpu.memref_squeeze %dma_start3A_109 : memref<1x80xi32, #tpu.memory_space<vmem>> -> memref<80xi32, #tpu.memory_space<vmem>>
      %dma_start3A_111 = arith.constant 0 : i32
      %dma_start3A_112 = arith.constant 0 : i32
      %dma_start3A_113 = tpu.memref_slice %arg14[%dma_start3A_111, %dma_start3A_112] : memref<10240x128xf32, #tpu.memory_space<vmem_shared>> -> memref<10240x128xf32, #tpu.memory_space<vmem_shared>>
      tpu.enqueue_indirect_dma source(%arg9 : memref<80x128xf32, #tpu.memory_space<vmem>>) target(%dma_start3A_113 : memref<10240x128xf32, #tpu.memory_space<vmem_shared>>) offsets(%dma_start3A_110 : memref<80xi32, #tpu.memory_space<vmem>>) semaphore(%run_scoped3A_107 : memref<!tpu.dma_semaphore, #tpu.memory_space<semaphore_mem>>) {add = true}
      %dma_wait3A_114 = arith.constant 0 : i32
      %dma_wait3A_115 = tpu.memref_slice %arg7[%run_scoped3A_77, %dma_wait3A_114] : memref<2x80xi32, #tpu.memory_space<vmem>> -> memref<1x80xi32, #tpu.memory_space<vmem>>
      %dma_wait3A_116 = tpu.memref_squeeze %dma_wait3A_115 : memref<1x80xi32, #tpu.memory_space<vmem>> -> memref<80xi32, #tpu.memory_space<vmem>>
      %dma_wait3A_117 = arith.constant 0 : i32
      %dma_wait3A_118 = arith.constant 0 : i32
      %dma_wait3A_119 = tpu.memref_slice %arg14[%dma_wait3A_117, %dma_wait3A_118] : memref<10240x128xf32, #tpu.memory_space<vmem_shared>> -> memref<10240x128xf32, #tpu.memory_space<vmem_shared>>
      tpu.wait_indirect_dma semaphore(%run_scoped3A_107 : memref<!tpu.dma_semaphore, #tpu.memory_space<semaphore_mem>>) src(%arg9 : memref<80x128xf32, #tpu.memory_space<vmem>>) dst(%dma_wait3A_119 : memref<10240x128xf32, #tpu.memory_space<vmem_shared>>)
      tpu.yield
    }) : () -> ()
    %dma_wait3A_78 = arith.constant 124 : i32
    %dma_wait3A_79 = arith.constant 0 : i32
    %dma_wait3A_80 = arith.constant 0 : i32
    %dma_wait3A_81 = tpu.memref_slice %arg3[%arg0, %arg1, %dma_wait3A_78, %dma_wait3A_79, %dma_wait3A_80] : memref<2x16x125x2x80xi32, #tpu.memory_space<hbm>> -> memref<1x1x1x2x80xi32, #tpu.memory_space<hbm>>
    %dma_wait3A_82 = tpu.memref_squeeze %dma_wait3A_81 : memref<1x1x1x2x80xi32, #tpu.memory_space<hbm>> -> memref<2x80xi32, #tpu.memory_space<hbm>>
    %dma_wait3A_83 = arith.constant 0 : i32
    %dma_wait3A_84 = arith.constant 0 : i32
    %dma_wait3A_85 = tpu.memref_slice %arg3[%arg0, %arg1, %dma_wait3A_78, %dma_wait3A_83, %dma_wait3A_84] : memref<2x16x125x2x80xi32, #tpu.memory_space<hbm>> -> memref<1x1x1x2x80xi32, #tpu.memory_space<hbm>>
    %dma_wait3A_86 = tpu.memref_squeeze %dma_wait3A_85 : memref<1x1x1x2x80xi32, #tpu.memory_space<hbm>> -> memref<2x80xi32, #tpu.memory_space<hbm>>
    tpu.wait_dma2 semaphore(%arg10 : memref<!tpu.dma_semaphore, #tpu.memory_space<semaphore_mem>>) src(%dma_wait3A_86 : memref<2x80xi32, #tpu.memory_space<hbm>>) dst(%arg6 : memref<2x80xi32, #tpu.memory_space<vmem>>)
    %dma_start3A_87 = arith.constant 0 : i32
    %dma_start3A_88 = arith.constant 0 : i32
    %dma_start3A_89 = tpu.memref_slice %arg6[%dma_start3A_87, %dma_start3A_88] : memref<2x80xi32, #tpu.memory_space<vmem>> -> memref<1x80xi32, #tpu.memory_space<vmem>>
    %dma_start3A_90 = tpu.memref_squeeze %dma_start3A_89 : memref<1x80xi32, #tpu.memory_space<vmem>> -> memref<80xi32, #tpu.memory_space<vmem>>
    %dma_start3A_91 = arith.constant 0 : i32
    %dma_start3A_92 = arith.constant 0 : i32
    %dma_start3A_93 = tpu.memref_slice %arg2[%dma_start3A_91, %dma_start3A_92] : memref<20000x128xf32, #tpu.memory_space<hbm>> -> memref<20000x128xf32, #tpu.memory_space<hbm>>
    tpu.enqueue_indirect_dma source(%dma_start3A_93 : memref<20000x128xf32, #tpu.memory_space<hbm>>) target(%arg8 : memref<80x128xf32, #tpu.memory_space<vmem>>) offsets(%dma_start3A_90 : memref<80xi32, #tpu.memory_space<vmem>>) semaphore(%arg12 : memref<!tpu.dma_semaphore, #tpu.memory_space<semaphore_mem>>)
    %dma_wait3A_94 = arith.constant 0 : i32
    %dma_wait3A_95 = arith.constant 0 : i32
    %dma_wait3A_96 = tpu.memref_slice %arg6[%dma_wait3A_94, %dma_wait3A_95] : memref<2x80xi32, #tpu.memory_space<vmem>> -> memref<1x80xi32, #tpu.memory_space<vmem>>
    %dma_wait3A_97 = tpu.memref_squeeze %dma_wait3A_96 : memref<1x80xi32, #tpu.memory_space<vmem>> -> memref<80xi32, #tpu.memory_space<vmem>>
    %dma_wait3A_98 = arith.constant 0 : i32
    %dma_wait3A_99 = arith.constant 0 : i32
    %dma_wait3A_100 = tpu.memref_slice %arg2[%dma_wait3A_98, %dma_wait3A_99] : memref<20000x128xf32, #tpu.memory_space<hbm>> -> memref<20000x128xf32, #tpu.memory_space<hbm>>
    tpu.wait_indirect_dma semaphore(%arg12 : memref<!tpu.dma_semaphore, #tpu.memory_space<semaphore_mem>>) src(%dma_wait3A_100 : memref<20000x128xf32, #tpu.memory_space<hbm>>) dst(%arg8 : memref<80x128xf32, #tpu.memory_space<vmem>>)
    %run_scoped3A_101 = arith.constant 1 : i32
    "tpu.region"() ({
      %run_scoped3A_107 = tpu.sem_alloc : memref<!tpu.dma_semaphore, #tpu.memory_space<semaphore_mem>>
      %dma_start3A_108 = arith.constant 0 : i32
      %dma_start3A_109 = tpu.memref_slice %arg6[%run_scoped3A_101, %dma_start3A_108] : memref<2x80xi32, #tpu.memory_space<vmem>> -> memref<1x80xi32, #tpu.memory_space<vmem>>
      %dma_start3A_110 = tpu.memref_squeeze %dma_start3A_109 : memref<1x80xi32, #tpu.memory_space<vmem>> -> memref<80xi32, #tpu.memory_space<vmem>>
      %dma_start3A_111 = arith.constant 0 : i32
      %dma_start3A_112 = arith.constant 0 : i32
      %dma_start3A_113 = tpu.memref_slice %arg14[%dma_start3A_111, %dma_start3A_112] : memref<10240x128xf32, #tpu.memory_space<vmem_shared>> -> memref<10240x128xf32, #tpu.memory_space<vmem_shared>>
      tpu.enqueue_indirect_dma source(%arg8 : memref<80x128xf32, #tpu.memory_space<vmem>>) target(%dma_start3A_113 : memref<10240x128xf32, #tpu.memory_space<vmem_shared>>) offsets(%dma_start3A_110 : memref<80xi32, #tpu.memory_space<vmem>>) semaphore(%run_scoped3A_107 : memref<!tpu.dma_semaphore, #tpu.memory_space<semaphore_mem>>) {add = true}
      %dma_wait3A_114 = arith.constant 0 : i32
      %dma_wait3A_115 = tpu.memref_slice %arg6[%run_scoped3A_101, %dma_wait3A_114] : memref<2x80xi32, #tpu.memory_space<vmem>> -> memref<1x80xi32, #tpu.memory_space<vmem>>
      %dma_wait3A_116 = tpu.memref_squeeze %dma_wait3A_115 : memref<1x80xi32, #tpu.memory_space<vmem>> -> memref<80xi32, #tpu.memory_space<vmem>>
      %dma_wait3A_117 = arith.constant 0 : i32
      %dma_wait3A_118 = arith.constant 0 : i32
      %dma_wait3A_119 = tpu.memref_slice %arg14[%dma_wait3A_117, %dma_wait3A_118] : memref<10240x128xf32, #tpu.memory_space<vmem_shared>> -> memref<10240x128xf32, #tpu.memory_space<vmem_shared>>
      tpu.wait_indirect_dma semaphore(%run_scoped3A_107 : memref<!tpu.dma_semaphore, #tpu.memory_space<semaphore_mem>>) src(%arg8 : memref<80x128xf32, #tpu.memory_space<vmem>>) dst(%dma_wait3A_119 : memref<10240x128xf32, #tpu.memory_space<vmem_shared>>)
      tpu.yield
    }) : () -> ()
    %barrier3A_102 = arith.constant 0 : index
    tpu.barrier barrier_id(%barrier3A_102)
    %mul3A_103 = arith.constant 640 : i32
    %mul3A_104 = arith.muli %arg1, %mul3A_103 : i32
    %mul3A_105 = arith.constant 640 : i32
    %mul3A_106 = arith.muli %arg1, %mul3A_105 : i32
    "tpu.region"() ({
      %run_scoped3A_107 = tpu.sem_alloc : memref<!tpu.dma_semaphore, #tpu.memory_space<semaphore_mem>>
      %dma_start3A_108 = arith.constant 0 : i32
      %dma_start3A_109 = tpu.memref_slice %arg5[%arg0, %mul3A_106, %dma_start3A_108] : memref<2x10240x128xf32, #tpu.memory_space<hbm>> -> memref<1x640x128xf32, #tpu.memory_space<hbm>>
      %dma_start3A_110 = tpu.memref_squeeze %dma_start3A_109 : memref<1x640x128xf32, #tpu.memory_space<hbm>> -> memref<640x128xf32, #tpu.memory_space<hbm>>
      %dma_start3A_111 = arith.constant 0 : i32
      %dma_start3A_112 = tpu.memref_slice %arg14[%mul3A_104, %dma_start3A_111] : memref<10240x128xf32, #tpu.memory_space<vmem_shared>> -> memref<640x128xf32, #tpu.memory_space<vmem_shared>>
      tpu.enqueue_dma source(%dma_start3A_112 : memref<640x128xf32, #tpu.memory_space<vmem_shared>>) target(%dma_start3A_110 : memref<640x128xf32, #tpu.memory_space<hbm>>) target_semaphore(%run_scoped3A_107 : memref<!tpu.dma_semaphore, #tpu.memory_space<semaphore_mem>>)
      %dma_wait3A_113 = arith.constant 0 : i32
      %dma_wait3A_114 = tpu.memref_slice %arg5[%arg0, %mul3A_106, %dma_wait3A_113] : memref<2x10240x128xf32, #tpu.memory_space<hbm>> -> memref<1x640x128xf32, #tpu.memory_space<hbm>>
      %dma_wait3A_115 = tpu.memref_squeeze %dma_wait3A_114 : memref<1x640x128xf32, #tpu.memory_space<hbm>> -> memref<640x128xf32, #tpu.memory_space<hbm>>
      %dma_wait3A_116 = arith.constant 0 : i32
      %dma_wait3A_117 = tpu.memref_slice %arg14[%mul3A_104, %dma_wait3A_116] : memref<10240x128xf32, #tpu.memory_space<vmem_shared>> -> memref<640x128xf32, #tpu.memory_space<vmem_shared>>
      tpu.wait_dma2 semaphore(%run_scoped3A_107 : memref<!tpu.dma_semaphore, #tpu.memory_space<semaphore_mem>>) src(%dma_wait3A_117 : memref<640x128xf32, #tpu.memory_space<vmem_shared>>) dst(%dma_wait3A_115 : memref<640x128xf32, #tpu.memory_space<hbm>>)
      tpu.yield
    }) : () -> ()
    return
  }
}

module attributes {stable_mosaic.version = 14 : i64} {
  func.func @_scale_body(%arg0: i32, %arg1: memref<2x2000x128xf32, #tpu.memory_space<vmem>>, %arg2: memref<2000x256xf32, #tpu.memory_space<vmem>>, %arg3: memref<2x2000x128xf32, #tpu.memory_space<vmem>>) attributes {dimension_semantics = [#tpu.dimension_semantics<arbitrary>], iteration_bounds = array<i64: 5>, scalar_prefetch = 0 : i64, scratch_operands = 0 : i64, tpu.core_type = #tpu.core_type<tc>, window_params = [{transform_indices = @transform_0, window_bounds = array<i64: 2, 2000, 128>}, {transform_indices = @transform_1, window_bounds = array<i64: 2000, 256>}, {transform_indices = @transform_2, window_bounds = array<i64: 2, 2000, 128>}]} {
    %get3A = arith.constant 0 : index
    %get3A_0 = arith.constant 0 : index
    %get3A_1 = arith.constant 0 : index
    %get3A_2 = vector.load %arg1[%get3A, %get3A_0, %get3A_1] : memref<2x2000x128xf32, #tpu.memory_space<vmem>>, vector<1x2000x1xf32>
    %get3A_3 = vector.shape_cast %get3A_2 : vector<1x2000x1xf32> to vector<2000x1xf32>
    %get3A_4 = arith.constant 1 : index
    %get3A_5 = arith.constant 0 : index
    %get3A_6 = arith.constant 0 : index
    %get3A_7 = vector.load %arg1[%get3A_4, %get3A_5, %get3A_6] : memref<2x2000x128xf32, #tpu.memory_space<vmem>>, vector<1x2000x1xf32>
    %get3A_8 = vector.shape_cast %get3A_7 : vector<1x2000x1xf32> to vector<2000x1xf32>
    %add3A = arith.addf %get3A_3, %get3A_8 : vector<2000x1xf32>
    %max3A = arith.constant 1.000000e+00 : f32
    %max3A_9 = vector.broadcast %max3A : f32 to vector<2000x1xf32>
    %max3A_10 = arith.maximumf %add3A, %max3A_9 : vector<2000x1xf32>
    %rsqrt3A = math.rsqrt %max3A_10 : vector<2000x1xf32>
    %get3A_11 = arith.constant 0 : index
    %get3A_12 = arith.constant 0 : index
    %get3A_13 = vector.load %arg2[%get3A_11, %get3A_12] : memref<2000x256xf32, #tpu.memory_space<vmem>>, vector<2000x256xf32>
    %mul3A = vector.broadcast %rsqrt3A : vector<2000x1xf32> to vector<2000x256xf32>
    %mul3A_14 = arith.mulf %get3A_13, %mul3A : vector<2000x256xf32>
    %slice3A = vector.extract_strided_slice %mul3A_14 {offsets = [0, 0], sizes = [2000, 128], strides = [1, 1]} : vector<2000x256xf32> to vector<2000x128xf32>
    %swap3A = arith.constant 0 : index
    %swap3A_15 = arith.constant 0 : index
    %swap3A_16 = arith.constant 0 : index
    %swap3A_17 = vector.load %arg3[%swap3A, %swap3A_15, %swap3A_16] : memref<2x2000x128xf32, #tpu.memory_space<vmem>>, vector<1x2000x128xf32>
    %swap3A_18 = vector.shape_cast %swap3A_17 : vector<1x2000x128xf32> to vector<2000x128xf32>
    %swap3A_19 = vector.shape_cast %slice3A : vector<2000x128xf32> to vector<1x2000x128xf32>
    tpu.vector_store %arg3[%swap3A, %swap3A_15, %swap3A_16], %swap3A_19 {strides = array<i32>} : memref<2x2000x128xf32, #tpu.memory_space<vmem>>, vector<1x2000x128xf32>,
    %slice3A_20 = vector.extract_strided_slice %mul3A_14 {offsets = [0, 128], sizes = [2000, 128], strides = [1, 1]} : vector<2000x256xf32> to vector<2000x128xf32>
    %swap3A_21 = arith.constant 1 : index
    %swap3A_22 = arith.constant 0 : index
    %swap3A_23 = arith.constant 0 : index
    %swap3A_24 = vector.load %arg3[%swap3A_21, %swap3A_22, %swap3A_23] : memref<2x2000x128xf32, #tpu.memory_space<vmem>>, vector<1x2000x128xf32>
    %swap3A_25 = vector.shape_cast %swap3A_24 : vector<1x2000x128xf32> to vector<2000x128xf32>
    %swap3A_26 = vector.shape_cast %slice3A_20 : vector<2000x128xf32> to vector<1x2000x128xf32>
    tpu.vector_store %arg3[%swap3A_21, %swap3A_22, %swap3A_23], %swap3A_26 {strides = array<i32>} : memref<2x2000x128xf32, #tpu.memory_space<vmem>>, vector<1x2000x128xf32>,
    return
  }
  func.func @transform_0(%arg0: i32) -> (i32, i32, i32) {
    %c0_i32 = arith.constant 0 : i32
    %c0_i32_0 = arith.constant 0 : i32
    %c0_i32_1 = arith.constant 0 : i32
    return %c0_i32, %arg0, %c0_i32_0 : i32, i32, i32
  }
  func.func @transform_1(%arg0: i32) -> (i32, i32) {
    %c0_i32 = arith.constant 0 : i32
    %c0_i32_0 = arith.constant 0 : i32
    return %arg0, %c0_i32 : i32, i32
  }
  func.func @transform_2(%arg0: i32) -> (i32, i32, i32) {
    %c0_i32 = arith.constant 0 : i32
    %c0_i32_0 = arith.constant 0 : i32
    %c0_i32_1 = arith.constant 0 : i32
    return %c0_i32, %arg0, %c0_i32_0 : i32, i32, i32
  }
}

module attributes {stable_mosaic.version = 14 : i64} {
  func.func @_tail_body(%arg0: i32, %arg1: memref<2x2000x128xf32, #tpu.memory_space<vmem>>, %arg2: memref<2000x256xf32, #tpu.memory_space<vmem>>, %arg3: memref<2x2000x128xf32, #tpu.memory_space<vmem>>, %arg4: memref<256x256xf32, #tpu.memory_space<vmem>>, %arg5: memref<256x256xf32, #tpu.memory_space<vmem>>, %arg6: memref<1x256xf32, #tpu.memory_space<vmem>>, %arg7: memref<2000x256xf32, #tpu.memory_space<vmem>>) attributes {dimension_semantics = [#tpu.dimension_semantics<arbitrary>], iteration_bounds = array<i64: 5>, scalar_prefetch = 0 : i64, scratch_operands = 0 : i64, tpu.core_type = #tpu.core_type<tc>, window_params = [{transform_indices = @transform_0, window_bounds = array<i64: 2, 2000, 128>}, {transform_indices = @transform_1, window_bounds = array<i64: 2000, 256>}, {transform_indices = @transform_2, window_bounds = array<i64: 2, 2000, 128>}, {pipeline_mode = #tpu.pipeline_mode<synchronous>, transform_indices = @transform_3, window_bounds = array<i64: 256, 256>}, {pipeline_mode = #tpu.pipeline_mode<synchronous>, transform_indices = @transform_4, window_bounds = array<i64: 256, 256>}, {pipeline_mode = #tpu.pipeline_mode<synchronous>, transform_indices = @transform_5, window_bounds = array<i64: 1, 256>}, {transform_indices = @transform_6, window_bounds = array<i64: 2000, 256>}]} {
    %get3A = arith.constant 0 : index
    %get3A_0 = arith.constant 0 : index
    %get3A_1 = arith.constant 0 : index
    %get3A_2 = vector.load %arg1[%get3A, %get3A_0, %get3A_1] : memref<2x2000x128xf32, #tpu.memory_space<vmem>>, vector<1x2000x1xf32>
    %get3A_3 = vector.shape_cast %get3A_2 : vector<1x2000x1xf32> to vector<2000x1xf32>
    %get3A_4 = arith.constant 1 : index
    %get3A_5 = arith.constant 0 : index
    %get3A_6 = arith.constant 0 : index
    %get3A_7 = vector.load %arg1[%get3A_4, %get3A_5, %get3A_6] : memref<2x2000x128xf32, #tpu.memory_space<vmem>>, vector<1x2000x1xf32>
    %get3A_8 = vector.shape_cast %get3A_7 : vector<1x2000x1xf32> to vector<2000x1xf32>
    %add3A = arith.addf %get3A_3, %get3A_8 : vector<2000x1xf32>
    %max3A = arith.constant 1.000000e+00 : f32
    %max3A_9 = vector.broadcast %max3A : f32 to vector<2000x1xf32>
    %max3A_10 = arith.maximumf %add3A, %max3A_9 : vector<2000x1xf32>
    %rsqrt3A = math.rsqrt %max3A_10 : vector<2000x1xf32>
    %get3A_11 = arith.constant 0 : index
    %get3A_12 = arith.constant 0 : index
    %get3A_13 = vector.load %arg2[%get3A_11, %get3A_12] : memref<2000x256xf32, #tpu.memory_space<vmem>>, vector<2000x256xf32>
    %get3A_14 = arith.constant 0 : index
    %get3A_15 = arith.constant 0 : index
    %get3A_16 = arith.constant 0 : index
    %get3A_17 = vector.load %arg3[%get3A_14, %get3A_15, %get3A_16] : memref<2x2000x128xf32, #tpu.memory_space<vmem>>, vector<1x2000x128xf32>
    %get3A_18 = vector.shape_cast %get3A_17 : vector<1x2000x128xf32> to vector<2000x128xf32>
    %get3A_19 = arith.constant 1 : index
    %get3A_20 = arith.constant 0 : index
    %get3A_21 = arith.constant 0 : index
    %get3A_22 = vector.load %arg3[%get3A_19, %get3A_20, %get3A_21] : memref<2x2000x128xf32, #tpu.memory_space<vmem>>, vector<1x2000x128xf32>
    %get3A_23 = vector.shape_cast %get3A_22 : vector<1x2000x128xf32> to vector<2000x128xf32>
    %concatenate3A = tpu.concatenate %get3A_18, %get3A_23 in 1 : vector<2000x128xf32>, vector<2000x128xf32> -> vector<2000x256xf32>
    %mul3A = vector.broadcast %rsqrt3A : vector<2000x1xf32> to vector<2000x256xf32>
    %mul3A_24 = arith.mulf %mul3A, %concatenate3A : vector<2000x256xf32>
    %add3A_25 = arith.addf %get3A_13, %mul3A_24 : vector<2000x256xf32>
    %mul3A_26 = arith.mulf %get3A_13, %concatenate3A : vector<2000x256xf32>
    %mul3A_27 = vector.broadcast %rsqrt3A : vector<2000x1xf32> to vector<2000x256xf32>
    %mul3A_28 = arith.mulf %mul3A_26, %mul3A_27 : vector<2000x256xf32>
    %get3A_29 = arith.constant 0 : index
    %get3A_30 = arith.constant 0 : index
    %get3A_31 = vector.load %arg4[%get3A_29, %get3A_30] : memref<256x256xf32, #tpu.memory_space<vmem>>, vector<256x256xf32>
    %dot_general3A = arith.constant dense<0.000000e+00> : vector<2000x256xf32>
    %dot_general3A_32 = tpu.matmul %add3A_25, %get3A_31, %dot_general3A {dimension_numbers = #tpu.dot_dimension_numbers<[1], [0], [0], [1], [0, 0, 1, 1], [], []>, transpose_lhs_hint = false} : vector<2000x256xf32>, vector<256x256xf32>, vector<2000x256xf32> -> vector<2000x256xf32>
    %get3A_33 = arith.constant 0 : index
    %get3A_34 = arith.constant 0 : index
    %get3A_35 = vector.load %arg5[%get3A_33, %get3A_34] : memref<256x256xf32, #tpu.memory_space<vmem>>, vector<256x256xf32>
    %dot_general3A_36 = arith.constant dense<0.000000e+00> : vector<2000x256xf32>
    %dot_general3A_37 = tpu.matmul %mul3A_28, %get3A_35, %dot_general3A_36 {dimension_numbers = #tpu.dot_dimension_numbers<[1], [0], [0], [1], [0, 0, 1, 1], [], []>, transpose_lhs_hint = false} : vector<2000x256xf32>, vector<256x256xf32>, vector<2000x256xf32> -> vector<2000x256xf32>
    %add3A_38 = arith.addf %dot_general3A_32, %dot_general3A_37 : vector<2000x256xf32>
    %get3A_39 = arith.constant 0 : index
    %get3A_40 = arith.constant 0 : index
    %get3A_41 = vector.load %arg6[%get3A_39, %get3A_40] : memref<1x256xf32, #tpu.memory_space<vmem>>, vector<1x256xf32>
    %add3A_42 = vector.broadcast %get3A_41 : vector<1x256xf32> to vector<2000x256xf32>
    %add3A_43 = arith.addf %add3A_38, %add3A_42 : vector<2000x256xf32>
    %ge3A = arith.constant 0.000000e+00 : f32
    %ge3A_44 = vector.broadcast %ge3A : f32 to vector<2000x256xf32>
    %ge3A_45 = arith.cmpf oge, %add3A_43, %ge3A_44 : vector<2000x256xf32>
    %mul3A_46 = arith.constant 0.00999999977 : f32
    %mul3A_47 = vector.broadcast %mul3A_46 : f32 to vector<2000x256xf32>
    %mul3A_48 = arith.mulf %mul3A_47, %add3A_43 : vector<2000x256xf32>
    %select_n3A = arith.select %ge3A_45, %add3A_43, %mul3A_48 : vector<2000x256xi1>, vector<2000x256xf32>
    %mul3A_49 = arith.mulf %select_n3A, %select_n3A : vector<2000x256xf32>
    %reduce_sum3A = arith.constant dense<0.000000e+00> : vector<2000xf32>
    %reduce_sum3A_50 = vector.multi_reduction <add>, %mul3A_49, %reduce_sum3A [1] : vector<2000x256xf32> to vector<2000xf32>
    %broadcast_in_dim3A = vector.shape_cast %reduce_sum3A_50 : vector<2000xf32> to vector<2000x1xf32>
    %sqrt3A = math.sqrt %broadcast_in_dim3A : vector<2000x1xf32>
    %max3A_51 = arith.constant 9.99999996E-13 : f32
    %max3A_52 = vector.broadcast %max3A_51 : f32 to vector<2000x1xf32>
    %max3A_53 = arith.maximumf %sqrt3A, %max3A_52 : vector<2000x1xf32>
    %div3A = vector.broadcast %max3A_53 : vector<2000x1xf32> to vector<2000x256xf32>
    %div3A_54 = arith.divf %select_n3A, %div3A : vector<2000x256xf32>
    %swap3A = arith.constant 0 : index
    %swap3A_55 = arith.constant 0 : index
    %swap3A_56 = vector.load %arg7[%swap3A, %swap3A_55] : memref<2000x256xf32, #tpu.memory_space<vmem>>, vector<2000x256xf32>
    tpu.vector_store %arg7[%swap3A, %swap3A_55], %div3A_54 {strides = array<i32>} : memref<2000x256xf32, #tpu.memory_space<vmem>>, vector<2000x256xf32>,
    return
  }
  func.func @transform_0(%arg0: i32) -> (i32, i32, i32) {
    %c0_i32 = arith.constant 0 : i32
    %c0_i32_0 = arith.constant 0 : i32
    %c0_i32_1 = arith.constant 0 : i32
    return %c0_i32, %arg0, %c0_i32_0 : i32, i32, i32
  }
  func.func @transform_1(%arg0: i32) -> (i32, i32) {
    %c0_i32 = arith.constant 0 : i32
    %c0_i32_0 = arith.constant 0 : i32
    return %arg0, %c0_i32 : i32, i32
  }
  func.func @transform_2(%arg0: i32) -> (i32, i32, i32) {
    %c0_i32 = arith.constant 0 : i32
    %c0_i32_0 = arith.constant 0 : i32
    %c0_i32_1 = arith.constant 0 : i32
    return %c0_i32, %arg0, %c0_i32_0 : i32, i32, i32
  }
  func.func @transform_3(%arg0: i32) -> (i32, i32) {
    %c0_i32 = arith.constant 0 : i32
    %c0_i32_0 = arith.constant 0 : i32
    %c0_i32_1 = arith.constant 0 : i32
    return %c0_i32, %c0_i32_0 : i32, i32
  }
  func.func @transform_4(%arg0: i32) -> (i32, i32) {
    %c0_i32 = arith.constant 0 : i32
    %c0_i32_0 = arith.constant 0 : i32
    %c0_i32_1 = arith.constant 0 : i32
    return %c0_i32, %c0_i32_0 : i32, i32
  }
  func.func @transform_5(%arg0: i32) -> (i32, i32) {
    %c0_i32 = arith.constant 0 : i32
    %c0_i32_0 = arith.constant 0 : i32
    %c0_i32_1 = arith.constant 0 : i32
    return %c0_i32, %c0_i32_0 : i32, i32
  }
  func.func @transform_6(%arg0: i32) -> (i32, i32) {
    %c0_i32 = arith.constant 0 : i32
    %c0_i32_0 = arith.constant 0 : i32
    return %arg0, %c0_i32 : i32, i32
  }
}

</mosaic_0001>

<sc_bundles>
// kernel: kernel.6.cloned.1.call-start
scs
__scs_entry_jumppad:
0x0: {  	(pc) =	sbr.rel $0x88, $3  }
0x1: {  	(tag) =	ssettag $0x0;
	lr =	simm.s32 $0x1  }
0x2: {  	[smem:$0x3F9C] =	sst lr;
	_ =	strace $0xD0000000  }
0x3: {  	_ = 	snop  }
0x4: {  	_ = 	snop  }
0x5: {  	_ = 	snop  }
0x6: {  	_ = 	snop  }
0x7: {  	_ = 	snop  }
__scs_overlays_trampoline_lowered:
0x8: {  	[smem:$0x3FAB] =	sst s0  }
0x9: {  	[smem:$0x3FAC] =	sst s1  }
0xa: {  	[smem:$0x3FAD] =	sst s2  }
0xb: {  	[smem:$0x3FAE] =	sst s3  }
0xc: {  	[smem:$0x3FAF] =	sst s4  }
0xd: {  	[smem:$0x3FB0] =	sst s5  }
0xe: {  	[smem:$0x3FB1] =	sst s6  }
0xf: {  	[smem:$0x3FB2] =	sst s7  }
0x10: {  	[smem:$0x3FB3] =	sst s8  }
0x11: {  	[smem:$0x3FB4] =	sst s9;
	s0 =	simm.s32 @!p0 $0x0  }
0x12: {  	s1 =	sld [smem:$0x3F9A];
	s0 =	simm.s32 @p0 $0x1  }
0x13: {  	[smem:$0x3FB5] =	sst s0;
	s0 =	simm.s32 @!p1 $0x0  }
0x14: {  	s2 =	sld [smem:$0x3F99];
	s0 =	simm.s32 @p1 $0x1  }
0x15: {  	[smem:$0x3FB6] =	sst s0;
	s0 =	simm.s32 @!p2 $0x0  }
0x16: {  	s3 =	sld [smem:$0x3FDB];
	s0 =	simm.s32 @p2 $0x1  }
0x17: {  	s4 =	simm.s32 $0x1BF5;
	[smem:$0x3FB8] =	sst s0  }
0x18: {  	s0 =	sld [smem:$0x3F9B];
	_ =	swait.ge [sflag:s4], $0x0  }
0x19: {  	s7 =	sld [smem:$0x3F9C]  }
0x1a: {  	s8 =	sadd.s32 $0xFFFFE003, lr  }
0x1b: {  	s9 =	sadd.s32 $0xFFFFFEF7, lr;
	s5 =	simm.s32 $0xFFFFFFFF;
	p2 =	slt.u32 s8, $0xFFFFF086  }
0x1c: {  	p1 =	slt.u32 s9, $0xF7A;
	s5 =	simm.s32 @!p2 $0x0  }
0x1d: {  	s5 =	simm.s32 @p1 $0x1;
	p0 =	seq.s32 s7, s2  }
0x1e: {  	s7 =	smul.u32 @!p0 $0xF7A, s2;
	p2 =	seq.s32 @!p0 s5, $0x0  }
0x1f: {  	s9 =	smul.u32 $0xF7A, s1;
	s8 =	simm.s32 @!p0 $0x1BF5;
	p2 =	por !p2, p0  }
0x20: {  	[sflag:s8] =	ssyncset.s32 @!p0 $0xFFFFF086;
	s6 =	sadd.s32 @!p0 s3, s7;
	s7 =	simm.s32 @!p0 $0x108  }
0x21: {  	s3 =	sadd.s32 s3, s9;
	s6 =	sadd.s32 @!p0 $0x88, s6;
	s7 =	simm.s32 @p2 $0x1082  }
0x22: {  	[simem:s7], [sflag:s8] =	dma.local @!p0 [hbm:s6], $0xF7A  }
0x23: {  	s9 =	sor.u32 $0xD0000000, s2;
	s6 =	simm.s32 $0x108;
	_ =	swait.ge @!p0 [sflag:s8], $0x0  }
0x24: {  	s3 =	sadd.s32 $0x88, s3;
	s6 =	simm.s32 @!p1 $0x1082;
	[sflag:s4] =	ssyncset.s32 $0xFFFFF086  }
0x25: {  	[simem:s6], [sflag:s4] =	dma.local [hbm:s3], $0xF7A  }
0x26: {  	[smem:$0x3F9C] =	sst s1;
	(tag) =	ssettag s2;
	_ =	strace s9  }
0x27: {  	s1 =	sld [smem:$0x3FAC]  }
0x28: {  	s2 =	sld [smem:$0x3FAD]  }
0x29: {  	s4 =	sld [smem:$0x3FAF]  }
0x2a: {  	p0 =	seq.s32 s5, $0x0;
	s5 =	sld [smem:$0x3FB0]  }
0x2b: {  	s6 =	sld [smem:$0x3FB1]  }
0x2c: {  	s7 =	sld [smem:$0x3FB2]  }
0x2d: {  	s3 =	simm.s32 $0x108;
	s8 =	sld [smem:$0x3FB3]  }
0x2e: {  	s3 =	simm.s32 @!p0 $0x1082;
	s9 =	sld [smem:$0x3FB4]  }
0x2f: {  	lr =	sadd.s32 s0, s3;
	s0 =	sld [smem:$0x3FAB]  }
0x30: {  	s3 =	sld [smem:$0x3FAE]  }
0x31: {  	[smem:$0x3FB7] =	sst s10  }
0x32: {  	s10 =	sld [smem:$0x3FB5];
	_ =	sdelay $0x3  }
0x33: {  	p0 =	seq.s32 s10, $0x1;
	s10 =	sld [smem:$0x3FB7];
	_ =	sdelay $0x3  }
0x34: {  	[smem:$0x3FB7] =	sst s10  }
0x35: {  	s10 =	sld [smem:$0x3FB6];
	_ =	sdelay $0x3  }
0x36: {  	p1 =	seq.s32 s10, $0x1;
	s10 =	sld [smem:$0x3FB7];
	_ =	sdelay $0x3  }
0x37: {  	[smem:$0x3FB7] =	sst s10  }
0x38: {  	s10 =	sld [smem:$0x3FB8]  }
0x39: {  	_ = 	snop;
	(pc) =	sbr.ind lr, $3  }
0x3a: {  	_ = 	snop  }
0x3b: {  	_ = 	snop  }
0x3c: {  	p2 =	seq.s32 s10, $0x1;
	s10 =	sld [smem:$0x3FB7]  }
0x3d: {  	_ =	shalt  }
0x3e: {  	_ =	shalt  }
0x3f: {  	_ =	shalt  }
0x40: {  	_ =	shalt  }
0x41: {  	_ =	shalt  }
0x42: {  	_ =	shalt  }
0x43: {  	_ =	shalt  }
0x44: {  	_ =	shalt  }
0x45: {  	_ =	shalt  }
0x46: {  	_ =	shalt  }
0x47: {  	_ =	shalt  }
0x48: {  	_ =	shalt  }
0x49: {  	_ =	shalt  }
0x4a: {  	_ =	shalt  }
0x4b: {  	_ =	shalt  }
0x4c: {  	_ =	shalt  }
0x4d: {  	_ =	shalt  }
0x4e: {  	_ =	shalt  }
0x4f: {  	_ =	shalt  }
0x50: {  	_ =	shalt  }
0x51: {  	_ =	shalt  }
0x52: {  	_ =	shalt  }
0x53: {  	_ =	shalt  }
0x54: {  	_ =	shalt  }
0x55: {  	_ =	shalt  }
0x56: {  	_ =	shalt  }
0x57: {  	_ =	shalt  }
0x58: {  	_ =	shalt  }
0x59: {  	_ =	shalt  }
0x5a: {  	_ =	shalt  }
0x5b: {  	_ =	shalt  }
0x5c: {  	_ =	shalt  }
0x5d: {  	_ =	shalt  }
0x5e: {  	_ =	shalt  }
0x5f: {  	_ =	shalt  }
0x60: {  	_ =	shalt  }
0x61: {  	_ =	shalt  }
0x62: {  	_ =	shalt  }
0x63: {  	_ =	shalt  }
0x64: {  	_ =	shalt  }
0x65: {  	_ =	shalt  }
0x66: {  	_ =	shalt  }
0x67: {  	_ =	shalt  }
0x68: {  	_ =	shalt  }
0x69: {  	_ =	shalt  }
0x6a: {  	_ =	shalt  }
0x6b: {  	_ =	shalt  }
0x6c: {  	_ =	shalt  }
0x6d: {  	_ =	shalt  }
0x6e: {  	_ =	shalt  }
0x6f: {  	_ =	shalt  }
0x70: {  	_ =	shalt  }
0x71: {  	_ =	shalt  }
0x72: {  	_ =	shalt  }
0x73: {  	_ =	shalt  }
0x74: {  	_ =	shalt  }
0x75: {  	_ =	shalt  }
0x76: {  	_ =	shalt  }
0x77: {  	_ =	shalt  }
0x78: {  	_ =	shalt  }
0x79: {  	_ =	shalt  }
0x7a: {  	_ =	shalt  }
0x7b: {  	_ =	shalt  }
0x7c: {  	_ =	shalt  }
0x7d: {  	_ =	shalt  }
0x7e: {  	_ =	shalt  }
0x7f: {  	_ =	shalt  }
0x80: {  	_ =	shalt  }
0x81: {  	_ =	shalt  }
0x82: {  	_ =	shalt  }
0x83: {  	_ =	shalt  }
0x84: {  	_ =	shalt  }
0x85: {  	_ =	shalt  }
0x86: {  	_ =	shalt  }
0x87: {  	_ =	shalt  }
.Lfunc_end0:
.L_simem_size_0:
called_computation_lowered:
.L_overlay_start_0:
0x88: {  	s2 =	sld [smem:$0x3FD9]  }
0x89: {  	s3 =	sld [smem:$0x3FFE];
	_ =	sdelay $0x1  }
0x8a: {  	s1 =	srdreg.scid  }
0x8b: {  	s0 =	sand.u32 $0x1, s1  }
0x8c: {  	s17 =	sshll.u32 s0, $0xA;
	s2 =	sadd.s32 s3, s2  }
0x8d: {  	s2 =	sadd.s32 s2, s17  }
0x8e: {  	[smem:$0x3FC3] =	sst s2  }
0x8f: {  	_ = 	snop  }
0x90: {  	s2 =	sld [smem:$0x3FD0];
	(tm) =	ssettm $0x1  }
0x91: {  	s18 =	sld [smem:$0x3FFB];
	_ =	sdelay $0x3  }
0x92: {  	_ =	strace s18  }
0x93: {  	s3 =	sld [smem:$0x3FFC];
	_ =	sdelay $0x3  }
0x94: {  	_ =	strace s3  }
0x95: {  	s3 =	sld [smem:$0x3FFD];
	_ =	sdelay $0x3  }
0x96: {  	_ =	strace s3  }
0x97: {  	_ =	strace $0x8FFFFFFF  }
0x98: {  	s19 =	sld [smem:$0x3FDB];
	_ =	sdelay $0x1  }
0x99: {  	s4 =	simm.s32 $_scs_section_size  }
0x9a: {  	s5 =	simm.s32 $_size__tile_overlayer_lowered;
	s6 =	simm.s32 $_tile_overlayer_lowered  }
0x9b: {  	s22 =	simm.s32 $0x1BFF;
	s21 =	sshll.u32 s6, $0x1;
	s3 =	sadd.s32 s4, s19  }
0x9c: {  	s7 =	simm.s32 $0x0;
	s20 =	sshll.u32 s5, $0x1;
	s5 =	sadd.s32 s21, s3  }
0x9d: {  	[timem:s7], [sflag:s22] =	dma.local [hbm:s5], s20  }
0x9e: {  	_ =	swait.ge [sflag:s22], s20  }
0x9f: {  	s4 =	ssub.s32 $0x0, s20;
	[sflag:s22] =	ssyncset.done $0x0  }
0xa0: {  	[sflag:s22] =	ssyncadd.s32 s4;
	_ =	sdelay $0x1  }
0xa1: {  	s23 =	simm.s32 $0x1B8B  }
0xa2: {  	_ =	swait.ge [sflag:s23], $0x1  }
0xa3: {  	[sflag:s23] =	ssyncset.done $0x0  }
0xa4: {  	s25 =	simm.s32 $0x1B8E;
	s24 =	sld [smem:$0x3FFE];
	[sflag:s23] =	ssyncadd.s32 $0xFFFFFFFF  }
0xa5: {  	s26 =	simm.s32 $execute0_lowered;
	[smem:$0x3FD2] =	sst s25  }
0xa6: {  	s5 =	sshll.u32 s26, $0x1;
	_ =	strace $0x80000046;
	[dreg:$0x1] =	wrdreg $0xFFFFFFFF  }
0xa7: {  	s28 =	simm.s32 $_size_execute0_lowered;
	s3 =	sadd.s32 s3, s5;
	[dreg:$0x0] =	wrdreg $0x0  }
0xa8: {  	s5 =	sshll.u32 s28, $0x1;
	[dreg:$0x2] =	wrdreg s3  }
0xa9: {  	[dreg:$0x3] =	wrdreg s5  }
0xaa: {  	[dreg:$0x4] =	wrdreg $0xC0  }
0xab: {  	_ =	task [dreg:s7], $0x5FFFF  }
0xac: {  	[dreg:$0x1] =	wrdreg $0xFFFFFFFF  }
0xad: {  	[dreg:$0x0] =	wrdreg $0x60  }
0xae: {  	[dreg:$0x2] =	wrdreg s2  }
0xaf: {  	[dreg:$0x3] =	wrdreg s24  }
0xb0: {  	[dreg:$0x4] =	wrdreg $0x54000  }
0xb1: {  	[dreg:$0x5] =	wrdreg $0x9  }
0xb2: {  	_ =	task.clear_ibuf [dreg:s7], $0x6FFFF;
	_ =	strace $0x90000046  }
0xb3: {  	s29 =	simm.s32 $0x9;
	_ =	strace $0x80000048  }
0xb4: {  	_ =	swait.ge [sflag:s29], $0x1  }
0xb5: {  	[sflag:s29] =	ssyncadd.s32 $0xFFFFFFFF  }
0xb6: {  	_ =	strace $0x90000048  }
0xb7: {  	_ =	sfence  }
0xb8: {  	s30 =	sld [smem:$0x0];
	_ =	sdelay $0x2  }
0xb9: {  	s31 =	sshll.u32 s1, $0xD;
	s1 =	sshrl.u32 s1, $0x2  }
0xba: {  	s3 =	sand.u32 $0x4000, s31;
	s1 =	sadd.s32 s1, s30  }
0xbb: {  	s0 =	sor.u32 s3, s0;
	s1 =	sshll.u32 s1, $0x11  }
0xbc: {  	s0 =	sor.u32 s1, s0  }
0xbd: {  	s0 =	sadd.s32 $0x8F2B, s0  }
0xbe: {  	[sflag:s0] =	ssyncadd.remote.s32 $0x1  }
0xbf: {  	_ =	sfence.sel $0xFFFF  }
0xc0: {  	[dreg:$0x0] =	wrdreg $0xFFFFFFFF;
	(pc) =	sbr.abs _section_cstart, $3  }
0xc1: {  	[dreg:$0x1] =	wrdreg $0xFFFFFFFF  }
0xc2: {  	_ =	task.clear_ibuf [dreg:s7], $0x2FFFF;
	_ =	strace $0x9FFFFFFF  }
0xc3: {  	(tm) =	ssettm $0x7FFFFFFF  }
tec
execute0_lowered:
.L_overlay_start_1:
0x0: {  	(tag) =	ssettag $0x1  }
0x1: {  	s6 =	rddreg [dreg:$0x0]  }
0x2: {  	s7 =	rddreg [dreg:$0x1]  }
0x3: {  	s1 =	rddreg [dreg:$0x2]  }
0x4: {  	s2 =	srdreg.scid;
	s0 =	rddreg [dreg:$0x3];
	s3 =	simm.s32 $0x0  }
0x5: {  	s13 =	simm.s32 $0x28;
	s8 =	sand.u32 $0x1, s2;
	s2 =	stileid.u32  }
0x6: {  	s14 =	simm.s32 $0x0;
	[smem:$0x7FF] =	sst s3;
	s9 =	smul.u32 $0x140000, s8  }
0x7: {  	s4 =	sadd.s32 $0x2200, s7;
	s5 =	sadd.s32 $0x2600, s7;
	s10 =	smul.u32 $0x14000, s2  }
0x8: {  	_ =	strace $0x80000047;
	s28 =	ssub.s32 $0x2, s8;
	s11 =	smul.u32 $0x50000, s2  }
0x9: {  	s12 =	sshll.u32 s2, $0xB;
	s8 =	sshll.u32 s8, $0xF;
	s31 =	sshll.u32 s2, $0x6  }
0xa: {  	s29 =	sshrl.u32 s28, $0x1;
	s6 =	sadd.s32 s6, s12;
	s9 =	sadd.s32 s10, s9  }
0xb: {  	s11 =	sshrl.u32 s11, $0x2;
	s6 =	sadd.s32 s8, s6;
	s10 =	simm.s32 $0x4000  }
0xc: {  	s9 =	sshrl.u32 s9, $0x3;
	s30 =	sadd.s32 s11, s1;
	s11 =	sor.u32 $0x1C01, s31  }
0xd: {  	s7 =	sadd.s32 s9, s7;
	s9 =	ssub.s32 s28, s29;
	s12 =	sshrl.u32 s30, $0x3  }
0xe: {  	s7 =	sadd.s32 $0x4E00, s7;
	s8 =	smax.u32 s9, $0x1;
	s9 =	simm.s32 $0x1  }
.LBB2_1:
0xf: {  	[tilespmem:s3], [sflag:$0x1] =	stream.linear.gather [hbm4b:s6+s3], $0x3E80, $0x38;
	[tilespmem:$0x19400] =	vst v63  }
0x10: {  	_ =	swait.ge [sflag:s9], $0x3E80  }
0x11: {  	[sflag:s9] =	ssyncset.done $0x0  }
0x12: {  	[sflag:s9] =	ssyncadd.s32 $0xFFFFC180  }
0x13: {  	[tilespmem:s10], [sflag:$0x1] =	stream.linear.gather [hbm4b:s4+s3], $0x1400, $0x38;
	[tilespmem:$0x19400] =	vst v63  }
0x14: {  	_ =	swait.ge [sflag:s9], $0x1400  }
0x15: {  	[sflag:s9] =	ssyncset.done $0x0  }
0x16: {  	[sflag:s9] =	ssyncadd.s32 $0xFFFFEC00  }
0x17: {  	[spmem:s12], [sflag:s11] =	dma.local [hbm:s5], $0x2800  }
0x18: {  	_ =	swait.ge [sflag:s9], $0x2800  }
0x19: {  	[sflag:s9] =	ssyncset.done $0x0  }
0x1a: {  	[sflag:s9] =	ssyncadd.s32 $0xFFFFD800  }
0x1b: {  	s15 =	simm.s32 $0x0;
	[bflag:$0x0] =	sbarrier.arrive $0xFFFF  }
0x1c: {  	[spmem:s1] =	stream.indirect.scatter.add.f32 [tilespmem:s10], [sflag:$0x1], $0x80, s15, s13, $0xb8;
	[tilespmem:$0x19400] =	vst v63  }
0x1d: {  	_ =	swait.ge [sflag:s9], $0x1400  }
0x1e: {  	s15 =	simm.s32 $0x200;
	[sflag:s9] =	ssyncset.done $0x0  }
.LBB2_2:
0x1f: {  	s16 =	sshra.s32 s15, $0x2;
	[sflag:s9] =	ssyncadd.s32 $0xFFFFEC00;
	p0 =	sne.s32 s15, $0xF800  }
0x20: {  	[spmem:s1] =	stream.indirect.scatter.add.f32 [tilespmem:s10], [sflag:$0x1], $0x80, s16, s13, $0xb8;
	[tilespmem:$0x19400] =	vst v63  }
.Ltmp0:
0x21: {  	_ = 	snop;
	(pc) =	sbr.rel @p0 .LBB2_2-.Ltmp0, $4  }
0x22: {  	_ = 	snop  }
0x23: {  	s15 =	sadd.s32 $0x200, s15  }
0x24: {  	_ =	swait.ge [sflag:s9], $0x1400  }
0x25: {  	[sflag:s9] =	ssyncset.done $0x0  }
0x26: {  	s14 =	sadd.s32 $0x1, s14  }
0x27: {  	[sflag:s9] =	ssyncadd.s32 $0xFFFFEC00;
	p0 =	sne.s32 s14, s8  }
.Ltmp1:
0x28: {  	[bflag:$0x0] =	sbarrier.arrive $0xFFFF;
	(pc) =	sbr.rel @p0 .LBB2_1-.Ltmp1, $4  }
0x29: {  	[hbm:s7], [sflag:s11] =	dma.local [spmem:s12], $0x2800  }
0x2a: {  	_ =	swait.ge [sflag:s9], $0x2800  }
0x2b: {  	[sflag:s9] =	ssyncset.done $0x0  }
0x2c: {  	[sflag:s9] =	ssyncadd.s32 $0xFFFFD800  }
0x2d: {  	_ =	sfence.sel $0x180000  }
0x2e: {  	[bflag:$0x0] =	sbarrier.arrive $0xFFFF  }
0x2f: {  	p0 =	sne.s32 s2, $0x0;
	_ =	strace $0x90000047  }
0x30: {  	s0 =	sadd.s32 @!p0 $0x100000, s0;
	[bflag:$0x2] =	sbarrier.arrive $0xFFFF  }
0x31: {  	[sflag:s0] =	ssyncadd.tile.s32 @!p0 $0x1;
	_ =	shalt  }
.Lfunc_end2:
_tile_overlayer_lowered:
.L_overlay_start_2:
0x32: {  	(tag) =	ssettag $0x2  }
0x33: {  	s0 =	rddreg [dreg:$0x0];
	s2 =	stileid.u32  }
0x34: {  	s1 =	rddreg [dreg:$0x1];
	p0 =	sne.s32 s2, $0x0  }
0x35: {  	s3 =	rddreg [dreg:$0x2];
	[bflag:$0x3] =	sbarrier.arrive $0xFFFF;
	s2 =	simm.s32 @!p0 $0x1C01  }
0x36: {  	[timem:s3], [sflag:s2] =	dma.local @!p0 [hbm:s0], s1  }
0x37: {  	s0 =	simm.s32 @!p0 $0x1  }
0x38: {  	_ =	swait.ge @!p0 [sflag:s0], s1  }
0x39: {  	s1 =	ssub.s32 @!p0 $0x0, s1;
	[sflag:s0] =	ssyncset.done @!p0 $0x0  }
0x3a: {  	[sflag:s0] =	ssyncadd.s32 @!p0 s1  }
0x3b: {  	[bflag:$0x3] =	sbarrier.arrive $0xFFFF  }
0x3c: {  	_ =	shalt  }

// kernel: kernel.9.cloned.1.call-start
scs
__scs_entry_jumppad:
0x0: {  	(pc) =	sbr.rel $0x88, $3  }
0x1: {  	(tag) =	ssettag $0x0;
	lr =	simm.s32 $0x1  }
0x2: {  	[smem:$0x3F9C] =	sst lr;
	_ =	strace $0xD0000000  }
0x3: {  	_ = 	snop  }
0x4: {  	_ = 	snop  }
0x5: {  	_ = 	snop  }
0x6: {  	_ = 	snop  }
0x7: {  	_ = 	snop  }
__scs_overlays_trampoline_lowered:
0x8: {  	[smem:$0x3FAB] =	sst s0  }
0x9: {  	[smem:$0x3FAC] =	sst s1  }
0xa: {  	[smem:$0x3FAD] =	sst s2  }
0xb: {  	[smem:$0x3FAE] =	sst s3  }
0xc: {  	[smem:$0x3FAF] =	sst s4  }
0xd: {  	[smem:$0x3FB0] =	sst s5  }
0xe: {  	[smem:$0x3FB1] =	sst s6  }
0xf: {  	[smem:$0x3FB2] =	sst s7  }
0x10: {  	[smem:$0x3FB3] =	sst s8  }
0x11: {  	[smem:$0x3FB4] =	sst s9;
	s0 =	simm.s32 @!p0 $0x0  }
0x12: {  	s1 =	sld [smem:$0x3F9A];
	s0 =	simm.s32 @p0 $0x1  }
0x13: {  	[smem:$0x3FB5] =	sst s0;
	s0 =	simm.s32 @!p1 $0x0  }
0x14: {  	s2 =	sld [smem:$0x3F99];
	s0 =	simm.s32 @p1 $0x1  }
0x15: {  	[smem:$0x3FB6] =	sst s0;
	s0 =	simm.s32 @!p2 $0x0  }
0x16: {  	s3 =	sld [smem:$0x3FDB];
	s0 =	simm.s32 @p2 $0x1  }
0x17: {  	s4 =	simm.s32 $0x1BF5;
	[smem:$0x3FB8] =	sst s0  }
0x18: {  	s0 =	sld [smem:$0x3F9B];
	_ =	swait.ge [sflag:s4], $0x0  }
0x19: {  	s7 =	sld [smem:$0x3F9C]  }
0x1a: {  	s8 =	sadd.s32 $0xFFFFE003, lr  }
0x1b: {  	s9 =	sadd.s32 $0xFFFFFEF7, lr;
	s5 =	simm.s32 $0xFFFFFFFF;
	p2 =	slt.u32 s8, $0xFFFFF086  }
0x1c: {  	p1 =	slt.u32 s9, $0xF7A;
	s5 =	simm.s32 @!p2 $0x0  }
0x1d: {  	s5 =	simm.s32 @p1 $0x1;
	p0 =	seq.s32 s7, s2  }
0x1e: {  	s7 =	smul.u32 @!p0 $0xF7A, s2;
	p2 =	seq.s32 @!p0 s5, $0x0  }
0x1f: {  	s9 =	smul.u32 $0xF7A, s1;
	s8 =	simm.s32 @!p0 $0x1BF5;
	p2 =	por !p2, p0  }
0x20: {  	[sflag:s8] =	ssyncset.s32 @!p0 $0xFFFFF086;
	s6 =	sadd.s32 @!p0 s3, s7;
	s7 =	simm.s32 @!p0 $0x108  }
0x21: {  	s3 =	sadd.s32 s3, s9;
	s6 =	sadd.s32 @!p0 $0x88, s6;
	s7 =	simm.s32 @p2 $0x1082  }
0x22: {  	[simem:s7], [sflag:s8] =	dma.local @!p0 [hbm:s6], $0xF7A  }
0x23: {  	s9 =	sor.u32 $0xD0000000, s2;
	s6 =	simm.s32 $0x108;
	_ =	swait.ge @!p0 [sflag:s8], $0x0  }
0x24: {  	s3 =	sadd.s32 $0x88, s3;
	s6 =	simm.s32 @!p1 $0x1082;
	[sflag:s4] =	ssyncset.s32 $0xFFFFF086  }
0x25: {  	[simem:s6], [sflag:s4] =	dma.local [hbm:s3], $0xF7A  }
0x26: {  	[smem:$0x3F9C] =	sst s1;
	(tag) =	ssettag s2;
	_ =	strace s9  }
0x27: {  	s1 =	sld [smem:$0x3FAC]  }
0x28: {  	s2 =	sld [smem:$0x3FAD]  }
0x29: {  	s4 =	sld [smem:$0x3FAF]  }
0x2a: {  	p0 =	seq.s32 s5, $0x0;
	s5 =	sld [smem:$0x3FB0]  }
0x2b: {  	s6 =	sld [smem:$0x3FB1]  }
0x2c: {  	s7 =	sld [smem:$0x3FB2]  }
0x2d: {  	s3 =	simm.s32 $0x108;
	s8 =	sld [smem:$0x3FB3]  }
0x2e: {  	s3 =	simm.s32 @!p0 $0x1082;
	s9 =	sld [smem:$0x3FB4]  }
0x2f: {  	lr =	sadd.s32 s0, s3;
	s0 =	sld [smem:$0x3FAB]  }
0x30: {  	s3 =	sld [smem:$0x3FAE]  }
0x31: {  	[smem:$0x3FB7] =	sst s10  }
0x32: {  	s10 =	sld [smem:$0x3FB5];
	_ =	sdelay $0x3  }
0x33: {  	p0 =	seq.s32 s10, $0x1;
	s10 =	sld [smem:$0x3FB7];
	_ =	sdelay $0x3  }
0x34: {  	[smem:$0x3FB7] =	sst s10  }
0x35: {  	s10 =	sld [smem:$0x3FB6];
	_ =	sdelay $0x3  }
0x36: {  	p1 =	seq.s32 s10, $0x1;
	s10 =	sld [smem:$0x3FB7];
	_ =	sdelay $0x3  }
0x37: {  	[smem:$0x3FB7] =	sst s10  }
0x38: {  	s10 =	sld [smem:$0x3FB8]  }
0x39: {  	_ = 	snop;
	(pc) =	sbr.ind lr, $3  }
0x3a: {  	_ = 	snop  }
0x3b: {  	_ = 	snop  }
0x3c: {  	p2 =	seq.s32 s10, $0x1;
	s10 =	sld [smem:$0x3FB7]  }
0x3d: {  	_ =	shalt  }
0x3e: {  	_ =	shalt  }
0x3f: {  	_ =	shalt  }
0x40: {  	_ =	shalt  }
0x41: {  	_ =	shalt  }
0x42: {  	_ =	shalt  }
0x43: {  	_ =	shalt  }
0x44: {  	_ =	shalt  }
0x45: {  	_ =	shalt  }
0x46: {  	_ =	shalt  }
0x47: {  	_ =	shalt  }
0x48: {  	_ =	shalt  }
0x49: {  	_ =	shalt  }
0x4a: {  	_ =	shalt  }
0x4b: {  	_ =	shalt  }
0x4c: {  	_ =	shalt  }
0x4d: {  	_ =	shalt  }
0x4e: {  	_ =	shalt  }
0x4f: {  	_ =	shalt  }
0x50: {  	_ =	shalt  }
0x51: {  	_ =	shalt  }
0x52: {  	_ =	shalt  }
0x53: {  	_ =	shalt  }
0x54: {  	_ =	shalt  }
0x55: {  	_ =	shalt  }
0x56: {  	_ =	shalt  }
0x57: {  	_ =	shalt  }
0x58: {  	_ =	shalt  }
0x59: {  	_ =	shalt  }
0x5a: {  	_ =	shalt  }
0x5b: {  	_ =	shalt  }
0x5c: {  	_ =	shalt  }
0x5d: {  	_ =	shalt  }
0x5e: {  	_ =	shalt  }
0x5f: {  	_ =	shalt  }
0x60: {  	_ =	shalt  }
0x61: {  	_ =	shalt  }
0x62: {  	_ =	shalt  }
0x63: {  	_ =	shalt  }
0x64: {  	_ =	shalt  }
0x65: {  	_ =	shalt  }
0x66: {  	_ =	shalt  }
0x67: {  	_ =	shalt  }
0x68: {  	_ =	shalt  }
0x69: {  	_ =	shalt  }
0x6a: {  	_ =	shalt  }
0x6b: {  	_ =	shalt  }
0x6c: {  	_ =	shalt  }
0x6d: {  	_ =	shalt  }
0x6e: {  	_ =	shalt  }
0x6f: {  	_ =	shalt  }
0x70: {  	_ =	shalt  }
0x71: {  	_ =	shalt  }
0x72: {  	_ =	shalt  }
0x73: {  	_ =	shalt  }
0x74: {  	_ =	shalt  }
0x75: {  	_ =	shalt  }
0x76: {  	_ =	shalt  }
0x77: {  	_ =	shalt  }
0x78: {  	_ =	shalt  }
0x79: {  	_ =	shalt  }
0x7a: {  	_ =	shalt  }
0x7b: {  	_ =	shalt  }
0x7c: {  	_ =	shalt  }
0x7d: {  	_ =	shalt  }
0x7e: {  	_ =	shalt  }
0x7f: {  	_ =	shalt  }
0x80: {  	_ =	shalt  }
0x81: {  	_ =	shalt  }
0x82: {  	_ =	shalt  }
0x83: {  	_ =	shalt  }
0x84: {  	_ =	shalt  }
0x85: {  	_ =	shalt  }
0x86: {  	_ =	shalt  }
0x87: {  	_ =	shalt  }
.Lfunc_end0:
.L_simem_size_0:
called_computation.1_lowered:
.L_overlay_start_0:
0x88: {  	s2 =	sld [smem:$0x3FD9]  }
0x89: {  	s3 =	sld [smem:$0x3FFE];
	_ =	sdelay $0x1  }
0x8a: {  	s1 =	srdreg.scid  }
0x8b: {  	s0 =	sand.u32 $0x1, s1  }
0x8c: {  	s17 =	sshll.u32 s0, $0xA;
	s2 =	sadd.s32 s3, s2  }
0x8d: {  	s2 =	sadd.s32 s2, s17  }
0x8e: {  	[smem:$0x3FC3] =	sst s2  }
0x8f: {  	_ = 	snop  }
0x90: {  	s2 =	sld [smem:$0x3FD0];
	(tm) =	ssettm $0x1  }
0x91: {  	s18 =	sld [smem:$0x3FFB];
	_ =	sdelay $0x3  }
0x92: {  	_ =	strace s18  }
0x93: {  	s3 =	sld [smem:$0x3FFC];
	_ =	sdelay $0x3  }
0x94: {  	_ =	strace s3  }
0x95: {  	s3 =	sld [smem:$0x3FFD];
	_ =	sdelay $0x3  }
0x96: {  	_ =	strace s3  }
0x97: {  	_ =	strace $0x8FFFFFFF  }
0x98: {  	s19 =	sld [smem:$0x3FDB];
	_ =	sdelay $0x1  }
0x99: {  	s4 =	simm.s32 $_scs_section_size  }
0x9a: {  	s5 =	simm.s32 $_size__tile_overlayer_lowered;
	s6 =	simm.s32 $_tile_overlayer_lowered  }
0x9b: {  	s22 =	simm.s32 $0x1BFF;
	s21 =	sshll.u32 s6, $0x1;
	s3 =	sadd.s32 s4, s19  }
0x9c: {  	s7 =	simm.s32 $0x0;
	s20 =	sshll.u32 s5, $0x1;
	s5 =	sadd.s32 s21, s3  }
0x9d: {  	[timem:s7], [sflag:s22] =	dma.local [hbm:s5], s20  }
0x9e: {  	_ =	swait.ge [sflag:s22], s20  }
0x9f: {  	s4 =	ssub.s32 $0x0, s20;
	[sflag:s22] =	ssyncset.done $0x0  }
0xa0: {  	[sflag:s22] =	ssyncadd.s32 s4;
	_ =	sdelay $0x1  }
0xa1: {  	s23 =	simm.s32 $0x1B8B  }
0xa2: {  	_ =	swait.ge [sflag:s23], $0x1  }
0xa3: {  	[sflag:s23] =	ssyncset.done $0x0  }
0xa4: {  	s25 =	simm.s32 $0x1B8E;
	s24 =	sld [smem:$0x3FFE];
	[sflag:s23] =	ssyncadd.s32 $0xFFFFFFFF  }
0xa5: {  	s26 =	simm.s32 $execute0_lowered;
	[smem:$0x3FD2] =	sst s25  }
0xa6: {  	s5 =	sshll.u32 s26, $0x1;
	_ =	strace $0x80000049;
	[dreg:$0x1] =	wrdreg $0xFFFFFFFF  }
0xa7: {  	s28 =	simm.s32 $_size_execute0_lowered;
	s3 =	sadd.s32 s3, s5;
	[dreg:$0x0] =	wrdreg $0x0  }
0xa8: {  	s5 =	sshll.u32 s28, $0x1;
	[dreg:$0x2] =	wrdreg s3  }
0xa9: {  	[dreg:$0x3] =	wrdreg s5  }
0xaa: {  	[dreg:$0x4] =	wrdreg $0xC0  }
0xab: {  	_ =	task [dreg:s7], $0x5FFFF  }
0xac: {  	[dreg:$0x1] =	wrdreg $0xFFFFFFFF  }
0xad: {  	[dreg:$0x0] =	wrdreg $0x60  }
0xae: {  	[dreg:$0x2] =	wrdreg s2  }
0xaf: {  	[dreg:$0x3] =	wrdreg s24  }
0xb0: {  	[dreg:$0x4] =	wrdreg $0x52000  }
0xb1: {  	[dreg:$0x5] =	wrdreg $0x9  }
0xb2: {  	_ =	task.clear_ibuf [dreg:s7], $0x6FFFF;
	_ =	strace $0x90000049  }
0xb3: {  	s29 =	simm.s32 $0x9;
	_ =	strace $0x8000004B  }
0xb4: {  	_ =	swait.ge [sflag:s29], $0x1  }
0xb5: {  	[sflag:s29] =	ssyncadd.s32 $0xFFFFFFFF  }
0xb6: {  	_ =	strace $0x9000004B  }
0xb7: {  	_ =	sfence  }
0xb8: {  	s30 =	sld [smem:$0x0];
	_ =	sdelay $0x2  }
0xb9: {  	s31 =	sshll.u32 s1, $0xD;
	s1 =	sshrl.u32 s1, $0x2  }
0xba: {  	s3 =	sand.u32 $0x4000, s31;
	s1 =	sadd.s32 s1, s30  }
0xbb: {  	s0 =	sor.u32 s3, s0;
	s1 =	sshll.u32 s1, $0x11  }
0xbc: {  	s0 =	sor.u32 s1, s0  }
0xbd: {  	s0 =	sadd.s32 $0x8F2B, s0  }
0xbe: {  	[sflag:s0] =	ssyncadd.remote.s32 $0x1  }
0xbf: {  	_ =	sfence.sel $0xFFFF  }
0xc0: {  	[dreg:$0x0] =	wrdreg $0xFFFFFFFF;
	(pc) =	sbr.abs _section_cstart, $3  }
0xc1: {  	[dreg:$0x1] =	wrdreg $0xFFFFFFFF  }
0xc2: {  	_ =	task.clear_ibuf [dreg:s7], $0x2FFFF;
	_ =	strace $0x9FFFFFFF  }
0xc3: {  	(tm) =	ssettm $0x7FFFFFFF  }
tec
execute0_lowered:
.L_overlay_start_1:
0x0: {  	(tag) =	ssettag $0x1  }
0x1: {  	s1 =	rddreg [dreg:$0x0]  }
0x2: {  	s7 =	rddreg [dreg:$0x1]  }
0x3: {  	s2 =	rddreg [dreg:$0x2];
	s4 =	simm.s32 $0x0;
	s3 =	srdreg.scid  }
0x4: {  	s17 =	simm.s32 $0x100;
	s18 =	simm.s32 $0x1;
	s19 =	simm.s32 $0x50  }
0x5: {  	s20 =	simm.s32 $0x200;
	s21 =	simm.s32 $0x2;
	s8 =	sand.u32 $0x1, s3  }
0x6: {  	s22 =	simm.s32 $0x2A00;
	s3 =	stileid.u32;
	s9 =	smul.u32 $0x140000, s8  }
0x7: {  	s23 =	simm.s32 $0x3;
	s24 =	simm.s32 $0x80;
	s10 =	smul.u32 $0x14000, s3  }
0x8: {  	s28 =	simm.s32 $0x0;
	[smem:$0x7FF] =	sst s4;
	s11 =	smul.u32 $0x7D000, s8  }
0x9: {  	s5 =	sadd.s32 $0x54E00, s7;
	s6 =	sadd.s32 $0x2600, s7;
	s25 =	smul.u32 $0x7D00, s3  }
0xa: {  	_ =	strace $0x8000004A;
	s8 =	ssub.s32 $0x2, s8;
	s13 =	smul.u32 $0x50000, s3  }
0xb: {  	s29 =	sshll.u32 s3, $0x6;
	s12 =	sshrl.u32 s8, $0x1;
	s9 =	sadd.s32 s10, s9  }
0xc: {  	s12 =	ssub.s32 s8, s12;
	s15 =	sadd.s32 s25, s11;
	s26 =	sshrl.u32 s13, $0x2  }
0xd: {  	s25 =	simm.s32 $0x4;
	s9 =	sshrl.u32 s9, $0x3;
	s30 =	sshrl.u32 s15, $0x3  }
0xe: {  	s16 =	sadd.s32 s26, s2;
	s31 =	sadd.s32 $0x300, s15;
	s12 =	smax.u32 s12, $0x1  }
0xf: {  	s26 =	simm.s32 $0x180;
	s14 =	sadd.s32 s9, s7;
	s8 =	sadd.s32 s5, s30  }
0x10: {  	s7 =	sor.u32 $0x1C05, s29;
	s13 =	sshrl.u32 s31, $0x3;
	s9 =	sadd.s32 $0x20, s8  }
0x11: {  	s10 =	sadd.s32 $0xF80, s8;
	s11 =	sadd.s32 $0x74200, s14;
	s13 =	sadd.s32 s13, s5  }
0x12: {  	s14 =	sadd.s32 $0x200, s15;
	s15 =	sshrl.u32 s16, $0x3;
	s16 =	simm.s32 $0x5  }
.LBB2_1:
0x13: {  	[spmem:s15], [sflag:s7] =	dma.local [hbm:s6], $0x2800  }
0x14: {  	_ =	swait.ge [sflag:s16], $0x2800  }
0x15: {  	[sflag:s16] =	ssyncset.done $0x0  }
0x16: {  	[sflag:s16] =	ssyncadd.s32 $0xFFFFD800  }
0x17: {  	[bflag:$0x0] =	sbarrier.arrive $0xFFFF  }
0x18: {  	[tilespmem:s4], [sflag:$0x1] =	stream.linear.gather [hbm4b:s8+s4], $0x100, $0x38;
	[tilespmem:$0x19200] =	vst v63  }
0x19: {  	_ = 	snop  }
0x1a: {  	[tilespmem:s17], [sflag:$0x2] =	stream.linear.gather [hbm4b:s9+s4], $0x100, $0x38;
	[tilespmem:$0x19200] =	vst v63  }
0x1b: {  	_ =	swait.ge [sflag:s18], $0x100  }
0x1c: {  	[sflag:s18] =	ssyncset.done $0x0  }
0x1d: {  	[sflag:s18] =	ssyncadd.s32 $0xFFFFFF00  }
0x1e: {  	[tilespmem:s20], [sflag:$0x3] =	stream.indirect.gather [hbm4b:s1+s19], $0x80, s4, s19, $0xb8;
	[tilespmem:$0x19200] =	vst v63  }
0x1f: {  	_ =	swait.ge [sflag:s21], $0x100  }
0x20: {  	[sflag:s21] =	ssyncset.done $0x0  }
0x21: {  	[sflag:s21] =	ssyncadd.s32 $0xFFFFFF00  }
0x22: {  	[tilespmem:s22], [sflag:$0x4] =	stream.indirect.gather [hbm4b:s1+s19], $0x80, s17, s19, $0xb8;
	[tilespmem:$0x19200] =	vst v63  }
0x23: {  	_ =	swait.ge [sflag:s23], $0x2800  }
0x24: {  	[sflag:s23] =	ssyncset.done $0x0  }
0x25: {  	[sflag:s23] =	ssyncadd.s32 $0xFFFFD800  }
0x26: {  	[spmem:s2] =	stream.indirect.scatter.add.f32 [tilespmem:s20], [sflag:$0x5], $0x80, s24, s19, $0xb8;
	[tilespmem:$0x19200] =	vst v63  }
0x27: {  	_ =	swait.ge [sflag:s16], $0x2800  }
0x28: {  	s29 =	sshrl.u32 s14, $0x3;
	[sflag:s16] =	ssyncset.done $0x0  }
0x29: {  	s29 =	sadd.s32 s5, s29;
	[sflag:s16] =	ssyncadd.s32 $0xFFFFD800  }
0x2a: {  	[tilespmem:s4], [sflag:$0x1] =	stream.linear.gather [hbm4b:s29+s4], $0x100, $0x38;
	[tilespmem:$0x19200] =	vst v63  }
0x2b: {  	_ =	swait.ge [sflag:s25], $0x2800  }
0x2c: {  	[sflag:s25] =	ssyncset.done $0x0  }
0x2d: {  	[sflag:s25] =	ssyncadd.s32 $0xFFFFD800  }
0x2e: {  	[spmem:s2] =	stream.indirect.scatter.add.f32 [tilespmem:s22], [sflag:$0x5], $0x80, s26, s19, $0xb8;
	[tilespmem:$0x19200] =	vst v63  }
0x2f: {  	_ =	swait.ge [sflag:s16], $0x2800  }
0x30: {  	[sflag:s16] =	ssyncset.done $0x0  }
0x31: {  	s29 =	sadd.s32 $0x0, s13;
	[sflag:s16] =	ssyncadd.s32 $0xFFFFD800  }
0x32: {  	[tilespmem:s17], [sflag:$0x2] =	stream.linear.gather [hbm4b:s29+s4], $0x100, $0x38;
	[tilespmem:$0x19200] =	vst v63  }
0x33: {  	_ =	swait.ge [sflag:s18], $0x100  }
0x34: {  	[sflag:s18] =	ssyncset.done $0x0  }
0x35: {  	[sflag:s18] =	ssyncadd.s32 $0xFFFFFF00  }
0x36: {  	[tilespmem:s20], [sflag:$0x3] =	stream.indirect.gather [hbm4b:s1+s19], $0x80, s4, s19, $0xb8;
	[tilespmem:$0x19200] =	vst v63  }
0x37: {  	_ =	swait.ge [sflag:s21], $0x100  }
0x38: {  	[sflag:s21] =	ssyncset.done $0x0  }
0x39: {  	s30 =	sadd.s32 $0x200, s14;
	s29 =	simm.s32 $0x40;
	[sflag:s21] =	ssyncadd.s32 $0xFFFFFF00  }
.LBB2_2:
0x3a: {  	[tilespmem:s22], [sflag:$0x4] =	stream.indirect.gather [hbm4b:s1+s19], $0x80, s17, s19, $0xb8;
	[tilespmem:$0x19200] =	vst v63  }
0x3b: {  	s31 =	smov.u32 s29  }
0x3c: {  	p0 =	sne.s32 s29, $0xF00;
	s29 =	sadd.s32 $0x40, s29;
	_ =	swait.ge [sflag:s23], $0x2800  }
0x3d: {  	[sflag:s23] =	ssyncset.done $0x0  }
0x3e: {  	[sflag:s23] =	ssyncadd.s32 $0xFFFFD800  }
0x3f: {  	[spmem:s2] =	stream.indirect.scatter.add.f32 [tilespmem:s20], [sflag:$0x5], $0x80, s24, s19, $0xb8;
	[tilespmem:$0x19200] =	vst v63  }
0x40: {  	_ =	swait.ge [sflag:s16], $0x2800  }
0x41: {  	s0 =	sshrl.u32 s30, $0x3;
	[sflag:s16] =	ssyncset.done $0x0  }
0x42: {  	s0 =	sadd.s32 s5, s0;
	[sflag:s16] =	ssyncadd.s32 $0xFFFFD800  }
0x43: {  	[tilespmem:s4], [sflag:$0x1] =	stream.linear.gather [hbm4b:s0+s4], $0x100, $0x38;
	[tilespmem:$0x19200] =	vst v63  }
0x44: {  	_ =	swait.ge [sflag:s25], $0x2800  }
0x45: {  	[sflag:s25] =	ssyncset.done $0x0  }
0x46: {  	[sflag:s25] =	ssyncadd.s32 $0xFFFFD800  }
0x47: {  	[spmem:s2] =	stream.indirect.scatter.add.f32 [tilespmem:s22], [sflag:$0x5], $0x80, s26, s19, $0xb8;
	[tilespmem:$0x19200] =	vst v63  }
0x48: {  	_ =	swait.ge [sflag:s16], $0x2800  }
0x49: {  	[sflag:s16] =	ssyncset.done $0x0  }
0x4a: {  	s0 =	sadd.s32 s31, s13;
	[sflag:s16] =	ssyncadd.s32 $0xFFFFD800  }
0x4b: {  	[tilespmem:s17], [sflag:$0x2] =	stream.linear.gather [hbm4b:s0+s4], $0x100, $0x38;
	[tilespmem:$0x19200] =	vst v63  }
0x4c: {  	_ =	swait.ge [sflag:s18], $0x100  }
0x4d: {  	[sflag:s18] =	ssyncset.done $0x0  }
.Ltmp0:
0x4e: {  	[sflag:s18] =	ssyncadd.s32 $0xFFFFFF00;
	(pc) =	sbr.rel @p0 .LBB2_2-.Ltmp0, $4  }
0x4f: {  	[tilespmem:s20], [sflag:$0x3] =	stream.indirect.gather [hbm4b:s1+s19], $0x80, s4, s19, $0xb8;
	[tilespmem:$0x19200] =	vst v63  }
0x50: {  	_ =	swait.ge [sflag:s21], $0x100  }
0x51: {  	[sflag:s21] =	ssyncset.done $0x0  }
0x52: {  	s30 =	sadd.s32 $0x200, s30;
	[sflag:s21] =	ssyncadd.s32 $0xFFFFFF00  }
0x53: {  	[tilespmem:s22], [sflag:$0x4] =	stream.indirect.gather [hbm4b:s1+s19], $0x80, s17, s19, $0xb8;
	[tilespmem:$0x19200] =	vst v63  }
0x54: {  	_ =	swait.ge [sflag:s23], $0x2800  }
0x55: {  	[sflag:s23] =	ssyncset.done $0x0  }
0x56: {  	[sflag:s23] =	ssyncadd.s32 $0xFFFFD800  }
0x57: {  	[spmem:s2] =	stream.indirect.scatter.add.f32 [tilespmem:s20], [sflag:$0x5], $0x80, s24, s19, $0xb8;
	[tilespmem:$0x19200] =	vst v63  }
0x58: {  	_ =	swait.ge [sflag:s16], $0x2800  }
0x59: {  	[sflag:s16] =	ssyncset.done $0x0  }
0x5a: {  	[sflag:s16] =	ssyncadd.s32 $0xFFFFD800  }
0x5b: {  	[tilespmem:s4], [sflag:$0x1] =	stream.linear.gather [hbm4b:s10+s4], $0x100, $0x38;
	[tilespmem:$0x19200] =	vst v63  }
0x5c: {  	_ =	swait.ge [sflag:s25], $0x2800  }
0x5d: {  	[sflag:s25] =	ssyncset.done $0x0  }
0x5e: {  	[sflag:s25] =	ssyncadd.s32 $0xFFFFD800  }
0x5f: {  	[spmem:s2] =	stream.indirect.scatter.add.f32 [tilespmem:s22], [sflag:$0x5], $0x80, s26, s19, $0xb8;
	[tilespmem:$0x19200] =	vst v63  }
0x60: {  	_ =	swait.ge [sflag:s16], $0x2800  }
0x61: {  	[sflag:s16] =	ssyncset.done $0x0  }
0x62: {  	[sflag:s16] =	ssyncadd.s32 $0xFFFFD800  }
0x63: {  	_ =	swait.ge [sflag:s18], $0x100  }
0x64: {  	[sflag:s18] =	ssyncset.done $0x0  }
0x65: {  	[sflag:s18] =	ssyncadd.s32 $0xFFFFFF00  }
0x66: {  	[tilespmem:s20], [sflag:$0x3] =	stream.indirect.gather [hbm4b:s1+s19], $0x80, s4, s19, $0xb8;
	[tilespmem:$0x19200] =	vst v63  }
0x67: {  	_ =	swait.ge [sflag:s23], $0x2800  }
0x68: {  	[sflag:s23] =	ssyncset.done $0x0  }
0x69: {  	[sflag:s23] =	ssyncadd.s32 $0xFFFFD800  }
0x6a: {  	[spmem:s2] =	stream.indirect.scatter.add.f32 [tilespmem:s20], [sflag:$0x5], $0x80, s24, s19, $0xb8;
	[tilespmem:$0x19200] =	vst v63  }
0x6b: {  	_ =	swait.ge [sflag:s16], $0x2800  }
0x6c: {  	s28 =	sadd.s32 $0x1, s28;
	[sflag:s16] =	ssyncset.done $0x0  }
0x6d: {  	p0 =	sne.s32 s28, s12;
	[sflag:s16] =	ssyncadd.s32 $0xFFFFD800  }
.Ltmp1:
0x6e: {  	[bflag:$0x0] =	sbarrier.arrive $0xFFFF;
	(pc) =	sbr.rel @p0 .LBB2_1-.Ltmp1, $4  }
0x6f: {  	[hbm:s11], [sflag:s7] =	dma.local [spmem:s15], $0x2800  }
0x70: {  	_ =	swait.ge [sflag:s16], $0x2800  }
0x71: {  	[sflag:s16] =	ssyncset.done $0x0  }
0x72: {  	[sflag:s16] =	ssyncadd.s32 $0xFFFFD800  }
0x73: {  	_ =	sfence.sel $0x180000  }
0x74: {  	[bflag:$0x0] =	sbarrier.arrive $0xFFFF  }
0x75: {  	_ =	strace $0x9000004A  }
0x76: {  	[bflag:$0x2] =	sbarrier.arrive $0xFFFF  }
0x77: {  	p0 =	sne.s32 s3, $0x0;
	s0 =	rddreg [dreg:$0x3]  }
0x78: {  	s0 =	sadd.s32 @!p0 $0x100000, s0  }
0x79: {  	[sflag:s0] =	ssyncadd.tile.s32 @!p0 $0x1;
	_ =	shalt  }
.Lfunc_end2:
_tile_overlayer_lowered:
.L_overlay_start_2:
0x7a: {  	(tag) =	ssettag $0x2  }
0x7b: {  	s0 =	rddreg [dreg:$0x0];
	s2 =	stileid.u32  }
0x7c: {  	s1 =	rddreg [dreg:$0x1];
	p0 =	sne.s32 s2, $0x0  }
0x7d: {  	s3 =	rddreg [dreg:$0x2];
	[bflag:$0x3] =	sbarrier.arrive $0xFFFF;
	s2 =	simm.s32 @!p0 $0x1C05  }
0x7e: {  	[timem:s3], [sflag:s2] =	dma.local @!p0 [hbm:s0], s1  }
0x7f: {  	s0 =	simm.s32 @!p0 $0x5  }
0x80: {  	_ =	swait.ge @!p0 [sflag:s0], s1  }
0x81: {  	s1 =	ssub.s32 @!p0 $0x0, s1;
	[sflag:s0] =	ssyncset.done @!p0 $0x0  }
0x82: {  	[sflag:s0] =	ssyncadd.s32 @!p0 s1  }
0x83: {  	[bflag:$0x3] =	sbarrier.arrive $0xFFFF  }
0x84: {  	_ =	shalt  }

</sc_bundles>
